<compile_context>
chip_gen: v7x
topology: tpu7x:2x2x1
jax: 0.10.2.dev20260603
libtpu: 0.0.44.dev20260713+nightly
codegen_flags: <defaults>
</compile_context>

<pallas_src>
import functools
import math

import jax
import jax.numpy as jnp
from jax import lax
from jax.experimental import pallas as pl
from jax.experimental.pallas import tpu as pltpu
from jax.experimental.pallas import tpu_sc as plsc

EMB_D = 32
CHUNK = 128
GPM = 5
MACRO = CHUNK * GPM
NBUF = 4
AHEAD = 2
SCALE = math.sqrt(EMB_D)


@functools.cache
def _build(num_chunks_total: int):
    info = plsc.get_sparse_core_info()
    nc, ns = info.num_cores, info.num_subcores
    nw = nc * ns
    assert num_chunks_total % (nw * GPM) == 0
    chunks_per_w = num_chunks_total // nw
    M = chunks_per_w // GPM
    assert M % NBUF == 0 and M >= 2 * NBUF
    mesh = plsc.VectorSubcoreMesh(core_axis_name="c", subcore_axis_name="s")

    @functools.partial(
        pl.kernel,
        mesh=mesh,
        out_type=jax.ShapeDtypeStruct((num_chunks_total * CHUNK, EMB_D),
                                      jnp.float32),
        scratch_types=[
            pltpu.VMEM((chunks_per_w, CHUNK), jnp.int32),
            pltpu.VMEM((MACRO, EMB_D), jnp.float32),
            pltpu.VMEM((MACRO, EMB_D), jnp.float32),
            pltpu.VMEM((MACRO, EMB_D), jnp.float32),
            pltpu.VMEM((MACRO, EMB_D), jnp.float32),
            pltpu.SemaphoreType.DMA,
            pltpu.SemaphoreType.DMA,
            pltpu.SemaphoreType.DMA,
            pltpu.SemaphoreType.DMA,
            pltpu.SemaphoreType.DMA,
            pltpu.SemaphoreType.DMA,
            pltpu.SemaphoreType.DMA,
            pltpu.SemaphoreType.DMA,
        ],
        compiler_params=pltpu.CompilerParams(use_tc_tiling_on_sc=False),
    )
    def gather_scale(tok_hbm, w_hbm, out_hbm, idx_v,
                     rows0, rows1, rows2, rows3,
                     gsem0, gsem1, gsem2, gsem3,
                     ssem0, ssem1, ssem2, ssem3):
        wid = lax.axis_index("s") * nc + lax.axis_index("c")
        base_chunk = wid * chunks_per_w
        rows = (rows0, rows1, rows2, rows3)
        gsems = (gsem0, gsem1, gsem2, gsem3)
        ssems = (ssem0, ssem1, ssem2, ssem3)

        pltpu.sync_copy(tok_hbm.at[pl.ds(base_chunk, chunks_per_w)], idx_v)

        def fire(m, b, drain_store):
            if drain_store:
                pltpu.make_async_copy(
                    rows[b], out_hbm.at[pl.ds(0, MACRO)], ssems[b]).wait()
            for g in range(GPM):
                pltpu.async_copy(w_hbm.at[idx_v.at[m * GPM + g]],
                                 rows[b].at[pl.ds(g * CHUNK, CHUNK)],
                                 gsems[b])

        def proc(m, b):
            pltpu.make_async_copy(
                w_hbm.at[pl.ds(0, MACRO)], rows[b], gsems[b]).wait()
            rows_b = rows[b]
            out_row = (base_chunk + m * GPM) * CHUNK
            pltpu.async_copy(rows_b, out_hbm.at[pl.ds(out_row, MACRO)],
                             ssems[b])

        fire(0, 0, False)
        fire(1, 1, False)
        fire(2, 2, False)
        proc(0, 0)
        fire(3, 3, False)
        proc(1, 1)

        @pl.loop(NBUF - AHEAD, M - AHEAD, step=NBUF)
        def _(mp):
            for k in range(NBUF):
                m = mp + k
                fire(m + AHEAD, k % NBUF, True)
                proc(m, (NBUF - AHEAD + k) % NBUF)

        proc(M - 2, (M - 2) % NBUF)
        proc(M - 1, (M - 1) % NBUF)

        for b in range(NBUF):
            pltpu.make_async_copy(
                rows[b], out_hbm.at[pl.ds(0, MACRO)], ssems[b]).wait()

    return gather_scale


def kernel(tokens, weight):
    b, s = tokens.shape
    total = b * s
    assert total % CHUNK == 0
    tok2d = tokens.reshape(total // CHUNK, CHUNK).astype(jnp.int32)
    out = _build(total // CHUNK)(tok2d, weight)
    return out.reshape(b, s, EMB_D)

# --- scband reference (transcript-rebuilt; emitter-appended) ---
"""Pipeline reference for scband-token-embedding-14791867368147 (READ-ONLY COPY).

The authoritative reference and input builder live on the scoring server;
editing this copy changes nothing except your own understanding.
"""

import math
import jax, jax.numpy as jnp
import numpy as np

VOCAB = 1000000
EMB = 32

def setup_inputs(seed: int = 0) -> dict:
    key = jax.random.key(seed)
    k_tok, k_w = jax.random.split(key)
    tokens = jax.random.randint(k_tok, (4096, 200), 0, VOCAB, dtype=jnp.int64 if jax.config.jax_enable_x64 else jnp.int32)
    weight = jax.random.normal(k_w, (VOCAB, EMB), dtype=jnp.float32)
    return {"tokens": tokens, "weight": weight}

def reference(tokens, weight):
    # nn.Embedding lookup followed by sqrt(emb_size) scaling
    emb = jnp.take(weight, tokens, axis=0)
    return emb * math.sqrt(EMB)

if __name__ == "__main__":
    import jax
    _d = setup_inputs()
    print(jax.jit(kernel)(*tuple(_d.values())))

</pallas_src>

<mosaic_0001>
#map = affine_map<(d0, d1) -> (0, 0)>
module attributes {stable_mosaic.version = 14 : i64} {
  func.func @gather_scale(%arg0: i32, %arg1: i32, %arg2: memref<6400x128xi32, #tpu.memory_space<hbm>>, %arg3: memref<1000000x32xf32, #tpu.memory_space<hbm>>, %arg4: memref<819200x32xf32, #tpu.memory_space<hbm>>, %arg5: memref<200x128xi32, #tpu.memory_space<vmem>>, %arg6: memref<640x32xf32, #tpu.memory_space<vmem>>, %arg7: memref<640x32xf32, #tpu.memory_space<vmem>>, %arg8: memref<640x32xf32, #tpu.memory_space<vmem>>, %arg9: memref<640x32xf32, #tpu.memory_space<vmem>>, %arg10: memref<!tpu.dma_semaphore, #tpu.memory_space<semaphore_mem>>, %arg11: memref<!tpu.dma_semaphore, #tpu.memory_space<semaphore_mem>>, %arg12: memref<!tpu.dma_semaphore, #tpu.memory_space<semaphore_mem>>, %arg13: memref<!tpu.dma_semaphore, #tpu.memory_space<semaphore_mem>>, %arg14: memref<!tpu.dma_semaphore, #tpu.memory_space<semaphore_mem>>, %arg15: memref<!tpu.dma_semaphore, #tpu.memory_space<semaphore_mem>>, %arg16: memref<!tpu.dma_semaphore, #tpu.memory_space<semaphore_mem>>, %arg17: memref<!tpu.dma_semaphore, #tpu.memory_space<semaphore_mem>>) attributes {dimension_semantics = [#tpu.dimension_semantics<core_parallel>, #tpu.dimension_semantics<subcore_parallel>], iteration_bounds = array<i64: 2, 16>, scalar_prefetch = 0 : i64, scratch_operands = 13 : i64, tpu.core_type = #tpu.core_type<sc_vector_subcore>, window_params = [{transform_indices = #map}, {transform_indices = #map}, {transform_indices = #map}]} {
    %mul3A = arith.constant 2 : i32
    %mul3A_0 = arith.muli %arg1, %mul3A : i32
    %add3A = arith.addi %mul3A_0, %arg0 : i32
    %mul3A_1 = arith.constant 200 : i32
    %mul3A_2 = arith.muli %add3A, %mul3A_1 : i32
    "tpu.region"() ({
      %run_scoped3A = tpu.sem_alloc : memref<!tpu.dma_semaphore, #tpu.memory_space<semaphore_mem>>
      %dma_start3A_285 = arith.constant 0 : i32
      %dma_start3A_286 = tpu.memref_slice %arg2[%mul3A_2, %dma_start3A_285] : memref<6400x128xi32, #tpu.memory_space<hbm>> -> memref<200x128xi32, #tpu.memory_space<hbm>>
      %dma_start3A_287 = arith.constant 0 : i32
      %dma_start3A_288 = tpu.memref_slice %arg2[%mul3A_2, %dma_start3A_287] : memref<6400x128xi32, #tpu.memory_space<hbm>> -> memref<200x128xi32, #tpu.memory_space<hbm>>
      tpu.enqueue_dma source(%dma_start3A_288 : memref<200x128xi32, #tpu.memory_space<hbm>>) target(%arg5 : memref<200x128xi32, #tpu.memory_space<vmem>>) target_semaphore(%run_scoped3A : memref<!tpu.dma_semaphore, #tpu.memory_space<semaphore_mem>>)
      %dma_wait3A_289 = arith.constant 0 : i32
      %dma_wait3A_290 = tpu.memref_slice %arg2[%mul3A_2, %dma_wait3A_289] : memref<6400x128xi32, #tpu.memory_space<hbm>> -> memref<200x128xi32, #tpu.memory_space<hbm>>
      %dma_wait3A_291 = arith.constant 0 : i32
      %dma_wait3A_292 = tpu.memref_slice %arg2[%mul3A_2, %dma_wait3A_291] : memref<6400x128xi32, #tpu.memory_space<hbm>> -> memref<200x128xi32, #tpu.memory_space<hbm>>
      tpu.wait_dma2 semaphore(%run_scoped3A : memref<!tpu.dma_semaphore, #tpu.memory_space<semaphore_mem>>) src(%dma_wait3A_292 : memref<200x128xi32, #tpu.memory_space<hbm>>) dst(%arg5 : memref<200x128xi32, #tpu.memory_space<vmem>>)
      tpu.yield
    }) : () -> ()
    %dma_start3A = arith.constant 0 : i32
    %dma_start3A_3 = arith.constant 0 : i32
    %dma_start3A_4 = arith.constant 0 : i32
    %dma_start3A_5 = tpu.memref_slice %arg6[%dma_start3A_3, %dma_start3A_4] : memref<640x32xf32, #tpu.memory_space<vmem>> -> memref<128x32xf32, #tpu.memory_space<vmem>>
    %dma_start3A_6 = arith.constant 0 : i32
    %dma_start3A_7 = tpu.memref_slice %arg5[%dma_start3A, %dma_start3A_6] : memref<200x128xi32, #tpu.memory_space<vmem>> -> memref<1x128xi32, #tpu.memory_space<vmem>>
    %dma_start3A_8 = tpu.memref_squeeze %dma_start3A_7 : memref<1x128xi32, #tpu.memory_space<vmem>> -> memref<128xi32, #tpu.memory_space<vmem>>
    %dma_start3A_9 = arith.constant 0 : i32
    %dma_start3A_10 = arith.constant 0 : i32
    %dma_start3A_11 = tpu.memref_slice %arg3[%dma_start3A_9, %dma_start3A_10] : memref<1000000x32xf32, #tpu.memory_space<hbm>> -> memref<1000000x32xf32, #tpu.memory_space<hbm>>
    tpu.enqueue_indirect_dma source(%dma_start3A_11 : memref<1000000x32xf32, #tpu.memory_space<hbm>>) target(%dma_start3A_5 : memref<128x32xf32, #tpu.memory_space<vmem>>) offsets(%dma_start3A_8 : memref<128xi32, #tpu.memory_space<vmem>>) semaphore(%arg10 : memref<!tpu.dma_semaphore, #tpu.memory_space<semaphore_mem>>)
    %dma_start3A_12 = arith.constant 1 : i32
    %dma_start3A_13 = arith.constant 128 : i32
    %dma_start3A_14 = arith.constant 0 : i32
    %dma_start3A_15 = tpu.memref_slice %arg6[%dma_start3A_13, %dma_start3A_14] : memref<640x32xf32, #tpu.memory_space<vmem>> -> memref<128x32xf32, #tpu.memory_space<vmem>>
    %dma_start3A_16 = arith.constant 0 : i32
    %dma_start3A_17 = tpu.memref_slice %arg5[%dma_start3A_12, %dma_start3A_16] : memref<200x128xi32, #tpu.memory_space<vmem>> -> memref<1x128xi32, #tpu.memory_space<vmem>>
    %dma_start3A_18 = tpu.memref_squeeze %dma_start3A_17 : memref<1x128xi32, #tpu.memory_space<vmem>> -> memref<128xi32, #tpu.memory_space<vmem>>
    %dma_start3A_19 = arith.constant 0 : i32
    %dma_start3A_20 = arith.constant 0 : i32
    %dma_start3A_21 = tpu.memref_slice %arg3[%dma_start3A_19, %dma_start3A_20] : memref<1000000x32xf32, #tpu.memory_space<hbm>> -> memref<1000000x32xf32, #tpu.memory_space<hbm>>
    tpu.enqueue_indirect_dma source(%dma_start3A_21 : memref<1000000x32xf32, #tpu.memory_space<hbm>>) target(%dma_start3A_15 : memref<128x32xf32, #tpu.memory_space<vmem>>) offsets(%dma_start3A_18 : memref<128xi32, #tpu.memory_space<vmem>>) semaphore(%arg10 : memref<!tpu.dma_semaphore, #tpu.memory_space<semaphore_mem>>)
    %dma_start3A_22 = arith.constant 2 : i32
    %dma_start3A_23 = arith.constant 256 : i32
    %dma_start3A_24 = arith.constant 0 : i32
    %dma_start3A_25 = tpu.memref_slice %arg6[%dma_start3A_23, %dma_start3A_24] : memref<640x32xf32, #tpu.memory_space<vmem>> -> memref<128x32xf32, #tpu.memory_space<vmem>>
    %dma_start3A_26 = arith.constant 0 : i32
    %dma_start3A_27 = tpu.memref_slice %arg5[%dma_start3A_22, %dma_start3A_26] : memref<200x128xi32, #tpu.memory_space<vmem>> -> memref<1x128xi32, #tpu.memory_space<vmem>>
    %dma_start3A_28 = tpu.memref_squeeze %dma_start3A_27 : memref<1x128xi32, #tpu.memory_space<vmem>> -> memref<128xi32, #tpu.memory_space<vmem>>
    %dma_start3A_29 = arith.constant 0 : i32
    %dma_start3A_30 = arith.constant 0 : i32
    %dma_start3A_31 = tpu.memref_slice %arg3[%dma_start3A_29, %dma_start3A_30] : memref<1000000x32xf32, #tpu.memory_space<hbm>> -> memref<1000000x32xf32, #tpu.memory_space<hbm>>
    tpu.enqueue_indirect_dma source(%dma_start3A_31 : memref<1000000x32xf32, #tpu.memory_space<hbm>>) target(%dma_start3A_25 : memref<128x32xf32, #tpu.memory_space<vmem>>) offsets(%dma_start3A_28 : memref<128xi32, #tpu.memory_space<vmem>>) semaphore(%arg10 : memref<!tpu.dma_semaphore, #tpu.memory_space<semaphore_mem>>)
    %dma_start3A_32 = arith.constant 3 : i32
    %dma_start3A_33 = arith.constant 384 : i32
    %dma_start3A_34 = arith.constant 0 : i32
    %dma_start3A_35 = tpu.memref_slice %arg6[%dma_start3A_33, %dma_start3A_34] : memref<640x32xf32, #tpu.memory_space<vmem>> -> memref<128x32xf32, #tpu.memory_space<vmem>>
    %dma_start3A_36 = arith.constant 0 : i32
    %dma_start3A_37 = tpu.memref_slice %arg5[%dma_start3A_32, %dma_start3A_36] : memref<200x128xi32, #tpu.memory_space<vmem>> -> memref<1x128xi32, #tpu.memory_space<vmem>>
    %dma_start3A_38 = tpu.memref_squeeze %dma_start3A_37 : memref<1x128xi32, #tpu.memory_space<vmem>> -> memref<128xi32, #tpu.memory_space<vmem>>
    %dma_start3A_39 = arith.constant 0 : i32
    %dma_start3A_40 = arith.constant 0 : i32
    %dma_start3A_41 = tpu.memref_slice %arg3[%dma_start3A_39, %dma_start3A_40] : memref<1000000x32xf32, #tpu.memory_space<hbm>> -> memref<1000000x32xf32, #tpu.memory_space<hbm>>
    tpu.enqueue_indirect_dma source(%dma_start3A_41 : memref<1000000x32xf32, #tpu.memory_space<hbm>>) target(%dma_start3A_35 : memref<128x32xf32, #tpu.memory_space<vmem>>) offsets(%dma_start3A_38 : memref<128xi32, #tpu.memory_space<vmem>>) semaphore(%arg10 : memref<!tpu.dma_semaphore, #tpu.memory_space<semaphore_mem>>)
    %dma_start3A_42 = arith.constant 4 : i32
    %dma_start3A_43 = arith.constant 512 : i32
    %dma_start3A_44 = arith.constant 0 : i32
    %dma_start3A_45 = tpu.memref_slice %arg6[%dma_start3A_43, %dma_start3A_44] : memref<640x32xf32, #tpu.memory_space<vmem>> -> memref<128x32xf32, #tpu.memory_space<vmem>>
    %dma_start3A_46 = arith.constant 0 : i32
    %dma_start3A_47 = tpu.memref_slice %arg5[%dma_start3A_42, %dma_start3A_46] : memref<200x128xi32, #tpu.memory_space<vmem>> -> memref<1x128xi32, #tpu.memory_space<vmem>>
    %dma_start3A_48 = tpu.memref_squeeze %dma_start3A_47 : memref<1x128xi32, #tpu.memory_space<vmem>> -> memref<128xi32, #tpu.memory_space<vmem>>
    %dma_start3A_49 = arith.constant 0 : i32
    %dma_start3A_50 = arith.constant 0 : i32
    %dma_start3A_51 = tpu.memref_slice %arg3[%dma_start3A_49, %dma_start3A_50] : memref<1000000x32xf32, #tpu.memory_space<hbm>> -> memref<1000000x32xf32, #tpu.memory_space<hbm>>
    tpu.enqueue_indirect_dma source(%dma_start3A_51 : memref<1000000x32xf32, #tpu.memory_space<hbm>>) target(%dma_start3A_45 : memref<128x32xf32, #tpu.memory_space<vmem>>) offsets(%dma_start3A_48 : memref<128xi32, #tpu.memory_space<vmem>>) semaphore(%arg10 : memref<!tpu.dma_semaphore, #tpu.memory_space<semaphore_mem>>)
    %dma_start3A_52 = arith.constant 5 : i32
    %dma_start3A_53 = arith.constant 0 : i32
    %dma_start3A_54 = arith.constant 0 : i32
    %dma_start3A_55 = tpu.memref_slice %arg7[%dma_start3A_53, %dma_start3A_54] : memref<640x32xf32, #tpu.memory_space<vmem>> -> memref<128x32xf32, #tpu.memory_space<vmem>>
    %dma_start3A_56 = arith.constant 0 : i32
    %dma_start3A_57 = tpu.memref_slice %arg5[%dma_start3A_52, %dma_start3A_56] : memref<200x128xi32, #tpu.memory_space<vmem>> -> memref<1x128xi32, #tpu.memory_space<vmem>>
    %dma_start3A_58 = tpu.memref_squeeze %dma_start3A_57 : memref<1x128xi32, #tpu.memory_space<vmem>> -> memref<128xi32, #tpu.memory_space<vmem>>
    %dma_start3A_59 = arith.constant 0 : i32
    %dma_start3A_60 = arith.constant 0 : i32
    %dma_start3A_61 = tpu.memref_slice %arg3[%dma_start3A_59, %dma_start3A_60] : memref<1000000x32xf32, #tpu.memory_space<hbm>> -> memref<1000000x32xf32, #tpu.memory_space<hbm>>
    tpu.enqueue_indirect_dma source(%dma_start3A_61 : memref<1000000x32xf32, #tpu.memory_space<hbm>>) target(%dma_start3A_55 : memref<128x32xf32, #tpu.memory_space<vmem>>) offsets(%dma_start3A_58 : memref<128xi32, #tpu.memory_space<vmem>>) semaphore(%arg11 : memref<!tpu.dma_semaphore, #tpu.memory_space<semaphore_mem>>)
    %dma_start3A_62 = arith.constant 6 : i32
    %dma_start3A_63 = arith.constant 128 : i32
    %dma_start3A_64 = arith.constant 0 : i32
    %dma_start3A_65 = tpu.memref_slice %arg7[%dma_start3A_63, %dma_start3A_64] : memref<640x32xf32, #tpu.memory_space<vmem>> -> memref<128x32xf32, #tpu.memory_space<vmem>>
    %dma_start3A_66 = arith.constant 0 : i32
    %dma_start3A_67 = tpu.memref_slice %arg5[%dma_start3A_62, %dma_start3A_66] : memref<200x128xi32, #tpu.memory_space<vmem>> -> memref<1x128xi32, #tpu.memory_space<vmem>>
    %dma_start3A_68 = tpu.memref_squeeze %dma_start3A_67 : memref<1x128xi32, #tpu.memory_space<vmem>> -> memref<128xi32, #tpu.memory_space<vmem>>
    %dma_start3A_69 = arith.constant 0 : i32
    %dma_start3A_70 = arith.constant 0 : i32
    %dma_start3A_71 = tpu.memref_slice %arg3[%dma_start3A_69, %dma_start3A_70] : memref<1000000x32xf32, #tpu.memory_space<hbm>> -> memref<1000000x32xf32, #tpu.memory_space<hbm>>
    tpu.enqueue_indirect_dma source(%dma_start3A_71 : memref<1000000x32xf32, #tpu.memory_space<hbm>>) target(%dma_start3A_65 : memref<128x32xf32, #tpu.memory_space<vmem>>) offsets(%dma_start3A_68 : memref<128xi32, #tpu.memory_space<vmem>>) semaphore(%arg11 : memref<!tpu.dma_semaphore, #tpu.memory_space<semaphore_mem>>)
    %dma_start3A_72 = arith.constant 7 : i32
    %dma_start3A_73 = arith.constant 256 : i32
    %dma_start3A_74 = arith.constant 0 : i32
    %dma_start3A_75 = tpu.memref_slice %arg7[%dma_start3A_73, %dma_start3A_74] : memref<640x32xf32, #tpu.memory_space<vmem>> -> memref<128x32xf32, #tpu.memory_space<vmem>>
    %dma_start3A_76 = arith.constant 0 : i32
    %dma_start3A_77 = tpu.memref_slice %arg5[%dma_start3A_72, %dma_start3A_76] : memref<200x128xi32, #tpu.memory_space<vmem>> -> memref<1x128xi32, #tpu.memory_space<vmem>>
    %dma_start3A_78 = tpu.memref_squeeze %dma_start3A_77 : memref<1x128xi32, #tpu.memory_space<vmem>> -> memref<128xi32, #tpu.memory_space<vmem>>
    %dma_start3A_79 = arith.constant 0 : i32
    %dma_start3A_80 = arith.constant 0 : i32
    %dma_start3A_81 = tpu.memref_slice %arg3[%dma_start3A_79, %dma_start3A_80] : memref<1000000x32xf32, #tpu.memory_space<hbm>> -> memref<1000000x32xf32, #tpu.memory_space<hbm>>
    tpu.enqueue_indirect_dma source(%dma_start3A_81 : memref<1000000x32xf32, #tpu.memory_space<hbm>>) target(%dma_start3A_75 : memref<128x32xf32, #tpu.memory_space<vmem>>) offsets(%dma_start3A_78 : memref<128xi32, #tpu.memory_space<vmem>>) semaphore(%arg11 : memref<!tpu.dma_semaphore, #tpu.memory_space<semaphore_mem>>)
    %dma_start3A_82 = arith.constant 8 : i32
    %dma_start3A_83 = arith.constant 384 : i32
    %dma_start3A_84 = arith.constant 0 : i32
    %dma_start3A_85 = tpu.memref_slice %arg7[%dma_start3A_83, %dma_start3A_84] : memref<640x32xf32, #tpu.memory_space<vmem>> -> memref<128x32xf32, #tpu.memory_space<vmem>>
    %dma_start3A_86 = arith.constant 0 : i32
    %dma_start3A_87 = tpu.memref_slice %arg5[%dma_start3A_82, %dma_start3A_86] : memref<200x128xi32, #tpu.memory_space<vmem>> -> memref<1x128xi32, #tpu.memory_space<vmem>>
    %dma_start3A_88 = tpu.memref_squeeze %dma_start3A_87 : memref<1x128xi32, #tpu.memory_space<vmem>> -> memref<128xi32, #tpu.memory_space<vmem>>
    %dma_start3A_89 = arith.constant 0 : i32
    %dma_start3A_90 = arith.constant 0 : i32
    %dma_start3A_91 = tpu.memref_slice %arg3[%dma_start3A_89, %dma_start3A_90] : memref<1000000x32xf32, #tpu.memory_space<hbm>> -> memref<1000000x32xf32, #tpu.memory_space<hbm>>
    tpu.enqueue_indirect_dma source(%dma_start3A_91 : memref<1000000x32xf32, #tpu.memory_space<hbm>>) target(%dma_start3A_85 : memref<128x32xf32, #tpu.memory_space<vmem>>) offsets(%dma_start3A_88 : memref<128xi32, #tpu.memory_space<vmem>>) semaphore(%arg11 : memref<!tpu.dma_semaphore, #tpu.memory_space<semaphore_mem>>)
    %dma_start3A_92 = arith.constant 9 : i32
    %dma_start3A_93 = arith.constant 512 : i32
    %dma_start3A_94 = arith.constant 0 : i32
    %dma_start3A_95 = tpu.memref_slice %arg7[%dma_start3A_93, %dma_start3A_94] : memref<640x32xf32, #tpu.memory_space<vmem>> -> memref<128x32xf32, #tpu.memory_space<vmem>>
    %dma_start3A_96 = arith.constant 0 : i32
    %dma_start3A_97 = tpu.memref_slice %arg5[%dma_start3A_92, %dma_start3A_96] : memref<200x128xi32, #tpu.memory_space<vmem>> -> memref<1x128xi32, #tpu.memory_space<vmem>>
    %dma_start3A_98 = tpu.memref_squeeze %dma_start3A_97 : memref<1x128xi32, #tpu.memory_space<vmem>> -> memref<128xi32, #tpu.memory_space<vmem>>
    %dma_start3A_99 = arith.constant 0 : i32
    %dma_start3A_100 = arith.constant 0 : i32
    %dma_start3A_101 = tpu.memref_slice %arg3[%dma_start3A_99, %dma_start3A_100] : memref<1000000x32xf32, #tpu.memory_space<hbm>> -> memref<1000000x32xf32, #tpu.memory_space<hbm>>
    tpu.enqueue_indirect_dma source(%dma_start3A_101 : memref<1000000x32xf32, #tpu.memory_space<hbm>>) target(%dma_start3A_95 : memref<128x32xf32, #tpu.memory_space<vmem>>) offsets(%dma_start3A_98 : memref<128xi32, #tpu.memory_space<vmem>>) semaphore(%arg11 : memref<!tpu.dma_semaphore, #tpu.memory_space<semaphore_mem>>)
    %dma_start3A_102 = arith.constant 10 : i32
    %dma_start3A_103 = arith.constant 0 : i32
    %dma_start3A_104 = arith.constant 0 : i32
    %dma_start3A_105 = tpu.memref_slice %arg8[%dma_start3A_103, %dma_start3A_104] : memref<640x32xf32, #tpu.memory_space<vmem>> -> memref<128x32xf32, #tpu.memory_space<vmem>>
    %dma_start3A_106 = arith.constant 0 : i32
    %dma_start3A_107 = tpu.memref_slice %arg5[%dma_start3A_102, %dma_start3A_106] : memref<200x128xi32, #tpu.memory_space<vmem>> -> memref<1x128xi32, #tpu.memory_space<vmem>>
    %dma_start3A_108 = tpu.memref_squeeze %dma_start3A_107 : memref<1x128xi32, #tpu.memory_space<vmem>> -> memref<128xi32, #tpu.memory_space<vmem>>
    %dma_start3A_109 = arith.constant 0 : i32
    %dma_start3A_110 = arith.constant 0 : i32
    %dma_start3A_111 = tpu.memref_slice %arg3[%dma_start3A_109, %dma_start3A_110] : memref<1000000x32xf32, #tpu.memory_space<hbm>> -> memref<1000000x32xf32, #tpu.memory_space<hbm>>
    tpu.enqueue_indirect_dma source(%dma_start3A_111 : memref<1000000x32xf32, #tpu.memory_space<hbm>>) target(%dma_start3A_105 : memref<128x32xf32, #tpu.memory_space<vmem>>) offsets(%dma_start3A_108 : memref<128xi32, #tpu.memory_space<vmem>>) semaphore(%arg12 : memref<!tpu.dma_semaphore, #tpu.memory_space<semaphore_mem>>)
    %dma_start3A_112 = arith.constant 11 : i32
    %dma_start3A_113 = arith.constant 128 : i32
    %dma_start3A_114 = arith.constant 0 : i32
    %dma_start3A_115 = tpu.memref_slice %arg8[%dma_start3A_113, %dma_start3A_114] : memref<640x32xf32, #tpu.memory_space<vmem>> -> memref<128x32xf32, #tpu.memory_space<vmem>>
    %dma_start3A_116 = arith.constant 0 : i32
    %dma_start3A_117 = tpu.memref_slice %arg5[%dma_start3A_112, %dma_start3A_116] : memref<200x128xi32, #tpu.memory_space<vmem>> -> memref<1x128xi32, #tpu.memory_space<vmem>>
    %dma_start3A_118 = tpu.memref_squeeze %dma_start3A_117 : memref<1x128xi32, #tpu.memory_space<vmem>> -> memref<128xi32, #tpu.memory_space<vmem>>
    %dma_start3A_119 = arith.constant 0 : i32
    %dma_start3A_120 = arith.constant 0 : i32
    %dma_start3A_121 = tpu.memref_slice %arg3[%dma_start3A_119, %dma_start3A_120] : memref<1000000x32xf32, #tpu.memory_space<hbm>> -> memref<1000000x32xf32, #tpu.memory_space<hbm>>
    tpu.enqueue_indirect_dma source(%dma_start3A_121 : memref<1000000x32xf32, #tpu.memory_space<hbm>>) target(%dma_start3A_115 : memref<128x32xf32, #tpu.memory_space<vmem>>) offsets(%dma_start3A_118 : memref<128xi32, #tpu.memory_space<vmem>>) semaphore(%arg12 : memref<!tpu.dma_semaphore, #tpu.memory_space<semaphore_mem>>)
    %dma_start3A_122 = arith.constant 12 : i32
    %dma_start3A_123 = arith.constant 256 : i32
    %dma_start3A_124 = arith.constant 0 : i32
    %dma_start3A_125 = tpu.memref_slice %arg8[%dma_start3A_123, %dma_start3A_124] : memref<640x32xf32, #tpu.memory_space<vmem>> -> memref<128x32xf32, #tpu.memory_space<vmem>>
    %dma_start3A_126 = arith.constant 0 : i32
    %dma_start3A_127 = tpu.memref_slice %arg5[%dma_start3A_122, %dma_start3A_126] : memref<200x128xi32, #tpu.memory_space<vmem>> -> memref<1x128xi32, #tpu.memory_space<vmem>>
    %dma_start3A_128 = tpu.memref_squeeze %dma_start3A_127 : memref<1x128xi32, #tpu.memory_space<vmem>> -> memref<128xi32, #tpu.memory_space<vmem>>
    %dma_start3A_129 = arith.constant 0 : i32
    %dma_start3A_130 = arith.constant 0 : i32
    %dma_start3A_131 = tpu.memref_slice %arg3[%dma_start3A_129, %dma_start3A_130] : memref<1000000x32xf32, #tpu.memory_space<hbm>> -> memref<1000000x32xf32, #tpu.memory_space<hbm>>
    tpu.enqueue_indirect_dma source(%dma_start3A_131 : memref<1000000x32xf32, #tpu.memory_space<hbm>>) target(%dma_start3A_125 : memref<128x32xf32, #tpu.memory_space<vmem>>) offsets(%dma_start3A_128 : memref<128xi32, #tpu.memory_space<vmem>>) semaphore(%arg12 : memref<!tpu.dma_semaphore, #tpu.memory_space<semaphore_mem>>)
    %dma_start3A_132 = arith.constant 13 : i32
    %dma_start3A_133 = arith.constant 384 : i32
    %dma_start3A_134 = arith.constant 0 : i32
    %dma_start3A_135 = tpu.memref_slice %arg8[%dma_start3A_133, %dma_start3A_134] : memref<640x32xf32, #tpu.memory_space<vmem>> -> memref<128x32xf32, #tpu.memory_space<vmem>>
    %dma_start3A_136 = arith.constant 0 : i32
    %dma_start3A_137 = tpu.memref_slice %arg5[%dma_start3A_132, %dma_start3A_136] : memref<200x128xi32, #tpu.memory_space<vmem>> -> memref<1x128xi32, #tpu.memory_space<vmem>>
    %dma_start3A_138 = tpu.memref_squeeze %dma_start3A_137 : memref<1x128xi32, #tpu.memory_space<vmem>> -> memref<128xi32, #tpu.memory_space<vmem>>
    %dma_start3A_139 = arith.constant 0 : i32
    %dma_start3A_140 = arith.constant 0 : i32
    %dma_start3A_141 = tpu.memref_slice %arg3[%dma_start3A_139, %dma_start3A_140] : memref<1000000x32xf32, #tpu.memory_space<hbm>> -> memref<1000000x32xf32, #tpu.memory_space<hbm>>
    tpu.enqueue_indirect_dma source(%dma_start3A_141 : memref<1000000x32xf32, #tpu.memory_space<hbm>>) target(%dma_start3A_135 : memref<128x32xf32, #tpu.memory_space<vmem>>) offsets(%dma_start3A_138 : memref<128xi32, #tpu.memory_space<vmem>>) semaphore(%arg12 : memref<!tpu.dma_semaphore, #tpu.memory_space<semaphore_mem>>)
    %dma_start3A_142 = arith.constant 14 : i32
    %dma_start3A_143 = arith.constant 512 : i32
    %dma_start3A_144 = arith.constant 0 : i32
    %dma_start3A_145 = tpu.memref_slice %arg8[%dma_start3A_143, %dma_start3A_144] : memref<640x32xf32, #tpu.memory_space<vmem>> -> memref<128x32xf32, #tpu.memory_space<vmem>>
    %dma_start3A_146 = arith.constant 0 : i32
    %dma_start3A_147 = tpu.memref_slice %arg5[%dma_start3A_142, %dma_start3A_146] : memref<200x128xi32, #tpu.memory_space<vmem>> -> memref<1x128xi32, #tpu.memory_space<vmem>>
    %dma_start3A_148 = tpu.memref_squeeze %dma_start3A_147 : memref<1x128xi32, #tpu.memory_space<vmem>> -> memref<128xi32, #tpu.memory_space<vmem>>
    %dma_start3A_149 = arith.constant 0 : i32
    %dma_start3A_150 = arith.constant 0 : i32
    %dma_start3A_151 = tpu.memref_slice %arg3[%dma_start3A_149, %dma_start3A_150] : memref<1000000x32xf32, #tpu.memory_space<hbm>> -> memref<1000000x32xf32, #tpu.memory_space<hbm>>
    tpu.enqueue_indirect_dma source(%dma_start3A_151 : memref<1000000x32xf32, #tpu.memory_space<hbm>>) target(%dma_start3A_145 : memref<128x32xf32, #tpu.memory_space<vmem>>) offsets(%dma_start3A_148 : memref<128xi32, #tpu.memory_space<vmem>>) semaphore(%arg12 : memref<!tpu.dma_semaphore, #tpu.memory_space<semaphore_mem>>)
    %dma_wait3A = arith.constant 0 : i32
    %dma_wait3A_152 = arith.constant 0 : i32
    %dma_wait3A_153 = tpu.memref_slice %arg3[%dma_wait3A, %dma_wait3A_152] : memref<1000000x32xf32, #tpu.memory_space<hbm>> -> memref<640x32xf32, #tpu.memory_space<hbm>>
    %dma_wait3A_154 = arith.constant 0 : i32
    %dma_wait3A_155 = arith.constant 0 : i32
    %dma_wait3A_156 = tpu.memref_slice %arg3[%dma_wait3A_154, %dma_wait3A_155] : memref<1000000x32xf32, #tpu.memory_space<hbm>> -> memref<640x32xf32, #tpu.memory_space<hbm>>
    tpu.wait_dma2 semaphore(%arg10 : memref<!tpu.dma_semaphore, #tpu.memory_space<semaphore_mem>>) src(%dma_wait3A_156 : memref<640x32xf32, #tpu.memory_space<hbm>>) dst(%arg6 : memref<640x32xf32, #tpu.memory_space<vmem>>)
    %add3A_157 = arith.constant 0 : i32
    %add3A_158 = arith.addi %mul3A_2, %add3A_157 : i32
    %mul3A_159 = arith.constant 128 : i32
    %mul3A_160 = arith.muli %add3A_158, %mul3A_159 : i32
    %dma_start3A_161 = arith.constant 0 : i32
    %dma_start3A_162 = tpu.memref_slice %arg4[%mul3A_160, %dma_start3A_161] : memref<819200x32xf32, #tpu.memory_space<hbm>> -> memref<640x32xf32, #tpu.memory_space<hbm>>
    %dma_start3A_163 = arith.constant 0 : i32
    %dma_start3A_164 = tpu.memref_slice %arg4[%mul3A_160, %dma_start3A_163] : memref<819200x32xf32, #tpu.memory_space<hbm>> -> memref<640x32xf32, #tpu.memory_space<hbm>>
    tpu.enqueue_dma source(%arg6 : memref<640x32xf32, #tpu.memory_space<vmem>>) target(%dma_start3A_164 : memref<640x32xf32, #tpu.memory_space<hbm>>) target_semaphore(%arg14 : memref<!tpu.dma_semaphore, #tpu.memory_space<semaphore_mem>>)
    %dma_start3A_165 = arith.constant 15 : i32
    %dma_start3A_166 = arith.constant 0 : i32
    %dma_start3A_167 = arith.constant 0 : i32
    %dma_start3A_168 = tpu.memref_slice %arg9[%dma_start3A_166, %dma_start3A_167] : memref<640x32xf32, #tpu.memory_space<vmem>> -> memref<128x32xf32, #tpu.memory_space<vmem>>
    %dma_start3A_169 = arith.constant 0 : i32
    %dma_start3A_170 = tpu.memref_slice %arg5[%dma_start3A_165, %dma_start3A_169] : memref<200x128xi32, #tpu.memory_space<vmem>> -> memref<1x128xi32, #tpu.memory_space<vmem>>
    %dma_start3A_171 = tpu.memref_squeeze %dma_start3A_170 : memref<1x128xi32, #tpu.memory_space<vmem>> -> memref<128xi32, #tpu.memory_space<vmem>>
    %dma_start3A_172 = arith.constant 0 : i32
    %dma_start3A_173 = arith.constant 0 : i32
    %dma_start3A_174 = tpu.memref_slice %arg3[%dma_start3A_172, %dma_start3A_173] : memref<1000000x32xf32, #tpu.memory_space<hbm>> -> memref<1000000x32xf32, #tpu.memory_space<hbm>>
    tpu.enqueue_indirect_dma source(%dma_start3A_174 : memref<1000000x32xf32, #tpu.memory_space<hbm>>) target(%dma_start3A_168 : memref<128x32xf32, #tpu.memory_space<vmem>>) offsets(%dma_start3A_171 : memref<128xi32, #tpu.memory_space<vmem>>) semaphore(%arg13 : memref<!tpu.dma_semaphore, #tpu.memory_space<semaphore_mem>>)
    %dma_start3A_175 = arith.constant 16 : i32
    %dma_start3A_176 = arith.constant 128 : i32
    %dma_start3A_177 = arith.constant 0 : i32
    %dma_start3A_178 = tpu.memref_slice %arg9[%dma_start3A_176, %dma_start3A_177] : memref<640x32xf32, #tpu.memory_space<vmem>> -> memref<128x32xf32, #tpu.memory_space<vmem>>
    %dma_start3A_179 = arith.constant 0 : i32
    %dma_start3A_180 = tpu.memref_slice %arg5[%dma_start3A_175, %dma_start3A_179] : memref<200x128xi32, #tpu.memory_space<vmem>> -> memref<1x128xi32, #tpu.memory_space<vmem>>
    %dma_start3A_181 = tpu.memref_squeeze %dma_start3A_180 : memref<1x128xi32, #tpu.memory_space<vmem>> -> memref<128xi32, #tpu.memory_space<vmem>>
    %dma_start3A_182 = arith.constant 0 : i32
    %dma_start3A_183 = arith.constant 0 : i32
    %dma_start3A_184 = tpu.memref_slice %arg3[%dma_start3A_182, %dma_start3A_183] : memref<1000000x32xf32, #tpu.memory_space<hbm>> -> memref<1000000x32xf32, #tpu.memory_space<hbm>>
    tpu.enqueue_indirect_dma source(%dma_start3A_184 : memref<1000000x32xf32, #tpu.memory_space<hbm>>) target(%dma_start3A_178 : memref<128x32xf32, #tpu.memory_space<vmem>>) offsets(%dma_start3A_181 : memref<128xi32, #tpu.memory_space<vmem>>) semaphore(%arg13 : memref<!tpu.dma_semaphore, #tpu.memory_space<semaphore_mem>>)
    %dma_start3A_185 = arith.constant 17 : i32
    %dma_start3A_186 = arith.constant 256 : i32
    %dma_start3A_187 = arith.constant 0 : i32
    %dma_start3A_188 = tpu.memref_slice %arg9[%dma_start3A_186, %dma_start3A_187] : memref<640x32xf32, #tpu.memory_space<vmem>> -> memref<128x32xf32, #tpu.memory_space<vmem>>
    %dma_start3A_189 = arith.constant 0 : i32
    %dma_start3A_190 = tpu.memref_slice %arg5[%dma_start3A_185, %dma_start3A_189] : memref<200x128xi32, #tpu.memory_space<vmem>> -> memref<1x128xi32, #tpu.memory_space<vmem>>
    %dma_start3A_191 = tpu.memref_squeeze %dma_start3A_190 : memref<1x128xi32, #tpu.memory_space<vmem>> -> memref<128xi32, #tpu.memory_space<vmem>>
    %dma_start3A_192 = arith.constant 0 : i32
    %dma_start3A_193 = arith.constant 0 : i32
    %dma_start3A_194 = tpu.memref_slice %arg3[%dma_start3A_192, %dma_start3A_193] : memref<1000000x32xf32, #tpu.memory_space<hbm>> -> memref<1000000x32xf32, #tpu.memory_space<hbm>>
    tpu.enqueue_indirect_dma source(%dma_start3A_194 : memref<1000000x32xf32, #tpu.memory_space<hbm>>) target(%dma_start3A_188 : memref<128x32xf32, #tpu.memory_space<vmem>>) offsets(%dma_start3A_191 : memref<128xi32, #tpu.memory_space<vmem>>) semaphore(%arg13 : memref<!tpu.dma_semaphore, #tpu.memory_space<semaphore_mem>>)
    %dma_start3A_195 = arith.constant 18 : i32
    %dma_start3A_196 = arith.constant 384 : i32
    %dma_start3A_197 = arith.constant 0 : i32
    %dma_start3A_198 = tpu.memref_slice %arg9[%dma_start3A_196, %dma_start3A_197] : memref<640x32xf32, #tpu.memory_space<vmem>> -> memref<128x32xf32, #tpu.memory_space<vmem>>
    %dma_start3A_199 = arith.constant 0 : i32
    %dma_start3A_200 = tpu.memref_slice %arg5[%dma_start3A_195, %dma_start3A_199] : memref<200x128xi32, #tpu.memory_space<vmem>> -> memref<1x128xi32, #tpu.memory_space<vmem>>
    %dma_start3A_201 = tpu.memref_squeeze %dma_start3A_200 : memref<1x128xi32, #tpu.memory_space<vmem>> -> memref<128xi32, #tpu.memory_space<vmem>>
    %dma_start3A_202 = arith.constant 0 : i32
    %dma_start3A_203 = arith.constant 0 : i32
    %dma_start3A_204 = tpu.memref_slice %arg3[%dma_start3A_202, %dma_start3A_203] : memref<1000000x32xf32, #tpu.memory_space<hbm>> -> memref<1000000x32xf32, #tpu.memory_space<hbm>>
    tpu.enqueue_indirect_dma source(%dma_start3A_204 : memref<1000000x32xf32, #tpu.memory_space<hbm>>) target(%dma_start3A_198 : memref<128x32xf32, #tpu.memory_space<vmem>>) offsets(%dma_start3A_201 : memref<128xi32, #tpu.memory_space<vmem>>) semaphore(%arg13 : memref<!tpu.dma_semaphore, #tpu.memory_space<semaphore_mem>>)
    %dma_start3A_205 = arith.constant 19 : i32
    %dma_start3A_206 = arith.constant 512 : i32
    %dma_start3A_207 = arith.constant 0 : i32
    %dma_start3A_208 = tpu.memref_slice %arg9[%dma_start3A_206, %dma_start3A_207] : memref<640x32xf32, #tpu.memory_space<vmem>> -> memref<128x32xf32, #tpu.memory_space<vmem>>
    %dma_start3A_209 = arith.constant 0 : i32
    %dma_start3A_210 = tpu.memref_slice %arg5[%dma_start3A_205, %dma_start3A_209] : memref<200x128xi32, #tpu.memory_space<vmem>> -> memref<1x128xi32, #tpu.memory_space<vmem>>
    %dma_start3A_211 = tpu.memref_squeeze %dma_start3A_210 : memref<1x128xi32, #tpu.memory_space<vmem>> -> memref<128xi32, #tpu.memory_space<vmem>>
    %dma_start3A_212 = arith.constant 0 : i32
    %dma_start3A_213 = arith.constant 0 : i32
    %dma_start3A_214 = tpu.memref_slice %arg3[%dma_start3A_212, %dma_start3A_213] : memref<1000000x32xf32, #tpu.memory_space<hbm>> -> memref<1000000x32xf32, #tpu.memory_space<hbm>>
    tpu.enqueue_indirect_dma source(%dma_start3A_214 : memref<1000000x32xf32, #tpu.memory_space<hbm>>) target(%dma_start3A_208 : memref<128x32xf32, #tpu.memory_space<vmem>>) offsets(%dma_start3A_211 : memref<128xi32, #tpu.memory_space<vmem>>) semaphore(%arg13 : memref<!tpu.dma_semaphore, #tpu.memory_space<semaphore_mem>>)
    %dma_wait3A_215 = arith.constant 0 : i32
    %dma_wait3A_216 = arith.constant 0 : i32
    %dma_wait3A_217 = tpu.memref_slice %arg3[%dma_wait3A_215, %dma_wait3A_216] : memref<1000000x32xf32, #tpu.memory_space<hbm>> -> memref<640x32xf32, #tpu.memory_space<hbm>>
    %dma_wait3A_218 = arith.constant 0 : i32
    %dma_wait3A_219 = arith.constant 0 : i32
    %dma_wait3A_220 = tpu.memref_slice %arg3[%dma_wait3A_218, %dma_wait3A_219] : memref<1000000x32xf32, #tpu.memory_space<hbm>> -> memref<640x32xf32, #tpu.memory_space<hbm>>
    tpu.wait_dma2 semaphore(%arg11 : memref<!tpu.dma_semaphore, #tpu.memory_space<semaphore_mem>>) src(%dma_wait3A_220 : memref<640x32xf32, #tpu.memory_space<hbm>>) dst(%arg7 : memref<640x32xf32, #tpu.memory_space<vmem>>)
    %add3A_221 = arith.constant 5 : i32
    %add3A_222 = arith.addi %mul3A_2, %add3A_221 : i32
    %mul3A_223 = arith.constant 128 : i32
    %mul3A_224 = arith.muli %add3A_222, %mul3A_223 : i32
    %dma_start3A_225 = arith.constant 0 : i32
    %dma_start3A_226 = tpu.memref_slice %arg4[%mul3A_224, %dma_start3A_225] : memref<819200x32xf32, #tpu.memory_space<hbm>> -> memref<640x32xf32, #tpu.memory_space<hbm>>
    %dma_start3A_227 = arith.constant 0 : i32
    %dma_start3A_228 = tpu.memref_slice %arg4[%mul3A_224, %dma_start3A_227] : memref<819200x32xf32, #tpu.memory_space<hbm>> -> memref<640x32xf32, #tpu.memory_space<hbm>>
    tpu.enqueue_dma source(%arg7 : memref<640x32xf32, #tpu.memory_space<vmem>>) target(%dma_start3A_228 : memref<640x32xf32, #tpu.memory_space<hbm>>) target_semaphore(%arg15 : memref<!tpu.dma_semaphore, #tpu.memory_space<semaphore_mem>>)
    %scan3A = arith.constant 0 : i32
    %scan3A_229 = arith.constant 9 : i32
    %scan3A_230 = arith.addi %scan3A, %scan3A_229 : i32
    %scan3A_231 = arith.constant 1 : i32
    scf.for %scan3A_285 = %scan3A to %scan3A_230 step %scan3A_231  : i32 {
      %mul3A_286 = arith.constant 4 : i32
      %mul3A_287 = arith.muli %scan3A_285, %mul3A_286 : i32
      %add3A_288 = arith.constant 2 : i32
      %add3A_289 = arith.addi %add3A_288, %mul3A_287 : i32
      %add3A_290 = arith.constant 0 : i32
      %add3A_291 = arith.addi %add3A_289, %add3A_290 : i32
      %add3A_292 = arith.constant 2 : i32
      %add3A_293 = arith.addi %add3A_291, %add3A_292 : i32
      %dma_wait3A_294 = arith.constant 0 : i32
      %dma_wait3A_295 = arith.constant 0 : i32
      %dma_wait3A_296 = tpu.memref_slice %arg4[%dma_wait3A_294, %dma_wait3A_295] : memref<819200x32xf32, #tpu.memory_space<hbm>> -> memref<640x32xf32, #tpu.memory_space<hbm>>
      %dma_wait3A_297 = arith.constant 0 : i32
      %dma_wait3A_298 = arith.constant 0 : i32
      %dma_wait3A_299 = tpu.memref_slice %arg4[%dma_wait3A_297, %dma_wait3A_298] : memref<819200x32xf32, #tpu.memory_space<hbm>> -> memref<640x32xf32, #tpu.memory_space<hbm>>
      tpu.wait_dma2 semaphore(%arg14 : memref<!tpu.dma_semaphore, #tpu.memory_space<semaphore_mem>>) src(%arg6 : memref<640x32xf32, #tpu.memory_space<vmem>>) dst(%dma_wait3A_299 : memref<640x32xf32, #tpu.memory_space<hbm>>)
      %mul3A_300 = arith.constant 5 : i32
      %mul3A_301 = arith.muli %add3A_293, %mul3A_300 : i32
      %add3A_302 = arith.constant 0 : i32
      %add3A_303 = arith.addi %mul3A_301, %add3A_302 : i32
      %dma_start3A_304 = arith.constant 0 : i32
      %dma_start3A_305 = arith.constant 0 : i32
      %dma_start3A_306 = tpu.memref_slice %arg6[%dma_start3A_304, %dma_start3A_305] : memref<640x32xf32, #tpu.memory_space<vmem>> -> memref<128x32xf32, #tpu.memory_space<vmem>>
      %dma_start3A_307 = arith.constant 0 : i32
      %dma_start3A_308 = tpu.memref_slice %arg5[%add3A_303, %dma_start3A_307] : memref<200x128xi32, #tpu.memory_space<vmem>> -> memref<1x128xi32, #tpu.memory_space<vmem>>
      %dma_start3A_309 = tpu.memref_squeeze %dma_start3A_308 : memref<1x128xi32, #tpu.memory_space<vmem>> -> memref<128xi32, #tpu.memory_space<vmem>>
      %dma_start3A_310 = arith.constant 0 : i32
      %dma_start3A_311 = arith.constant 0 : i32
      %dma_start3A_312 = tpu.memref_slice %arg3[%dma_start3A_310, %dma_start3A_311] : memref<1000000x32xf32, #tpu.memory_space<hbm>> -> memref<1000000x32xf32, #tpu.memory_space<hbm>>
      tpu.enqueue_indirect_dma source(%dma_start3A_312 : memref<1000000x32xf32, #tpu.memory_space<hbm>>) target(%dma_start3A_306 : memref<128x32xf32, #tpu.memory_space<vmem>>) offsets(%dma_start3A_309 : memref<128xi32, #tpu.memory_space<vmem>>) semaphore(%arg10 : memref<!tpu.dma_semaphore, #tpu.memory_space<semaphore_mem>>)
      %mul3A_313 = arith.constant 5 : i32
      %mul3A_314 = arith.muli %add3A_293, %mul3A_313 : i32
      %add3A_315 = arith.constant 1 : i32
      %add3A_316 = arith.addi %mul3A_314, %add3A_315 : i32
      %dma_start3A_317 = arith.constant 128 : i32
      %dma_start3A_318 = arith.constant 0 : i32
      %dma_start3A_319 = tpu.memref_slice %arg6[%dma_start3A_317, %dma_start3A_318] : memref<640x32xf32, #tpu.memory_space<vmem>> -> memref<128x32xf32, #tpu.memory_space<vmem>>
      %dma_start3A_320 = arith.constant 0 : i32
      %dma_start3A_321 = tpu.memref_slice %arg5[%add3A_316, %dma_start3A_320] : memref<200x128xi32, #tpu.memory_space<vmem>> -> memref<1x128xi32, #tpu.memory_space<vmem>>
      %dma_start3A_322 = tpu.memref_squeeze %dma_start3A_321 : memref<1x128xi32, #tpu.memory_space<vmem>> -> memref<128xi32, #tpu.memory_space<vmem>>
      %dma_start3A_323 = arith.constant 0 : i32
      %dma_start3A_324 = arith.constant 0 : i32
      %dma_start3A_325 = tpu.memref_slice %arg3[%dma_start3A_323, %dma_start3A_324] : memref<1000000x32xf32, #tpu.memory_space<hbm>> -> memref<1000000x32xf32, #tpu.memory_space<hbm>>
      tpu.enqueue_indirect_dma source(%dma_start3A_325 : memref<1000000x32xf32, #tpu.memory_space<hbm>>) target(%dma_start3A_319 : memref<128x32xf32, #tpu.memory_space<vmem>>) offsets(%dma_start3A_322 : memref<128xi32, #tpu.memory_space<vmem>>) semaphore(%arg10 : memref<!tpu.dma_semaphore, #tpu.memory_space<semaphore_mem>>)
      %mul3A_326 = arith.constant 5 : i32
      %mul3A_327 = arith.muli %add3A_293, %mul3A_326 : i32
      %add3A_328 = arith.constant 2 : i32
      %add3A_329 = arith.addi %mul3A_327, %add3A_328 : i32
      %dma_start3A_330 = arith.constant 256 : i32
      %dma_start3A_331 = arith.constant 0 : i32
      %dma_start3A_332 = tpu.memref_slice %arg6[%dma_start3A_330, %dma_start3A_331] : memref<640x32xf32, #tpu.memory_space<vmem>> -> memref<128x32xf32, #tpu.memory_space<vmem>>
      %dma_start3A_333 = arith.constant 0 : i32
      %dma_start3A_334 = tpu.memref_slice %arg5[%add3A_329, %dma_start3A_333] : memref<200x128xi32, #tpu.memory_space<vmem>> -> memref<1x128xi32, #tpu.memory_space<vmem>>
      %dma_start3A_335 = tpu.memref_squeeze %dma_start3A_334 : memref<1x128xi32, #tpu.memory_space<vmem>> -> memref<128xi32, #tpu.memory_space<vmem>>
      %dma_start3A_336 = arith.constant 0 : i32
      %dma_start3A_337 = arith.constant 0 : i32
      %dma_start3A_338 = tpu.memref_slice %arg3[%dma_start3A_336, %dma_start3A_337] : memref<1000000x32xf32, #tpu.memory_space<hbm>> -> memref<1000000x32xf32, #tpu.memory_space<hbm>>
      tpu.enqueue_indirect_dma source(%dma_start3A_338 : memref<1000000x32xf32, #tpu.memory_space<hbm>>) target(%dma_start3A_332 : memref<128x32xf32, #tpu.memory_space<vmem>>) offsets(%dma_start3A_335 : memref<128xi32, #tpu.memory_space<vmem>>) semaphore(%arg10 : memref<!tpu.dma_semaphore, #tpu.memory_space<semaphore_mem>>)
      %mul3A_339 = arith.constant 5 : i32
      %mul3A_340 = arith.muli %add3A_293, %mul3A_339 : i32
      %add3A_341 = arith.constant 3 : i32
      %add3A_342 = arith.addi %mul3A_340, %add3A_341 : i32
      %dma_start3A_343 = arith.constant 384 : i32
      %dma_start3A_344 = arith.constant 0 : i32
      %dma_start3A_345 = tpu.memref_slice %arg6[%dma_start3A_343, %dma_start3A_344] : memref<640x32xf32, #tpu.memory_space<vmem>> -> memref<128x32xf32, #tpu.memory_space<vmem>>
      %dma_start3A_346 = arith.constant 0 : i32
      %dma_start3A_347 = tpu.memref_slice %arg5[%add3A_342, %dma_start3A_346] : memref<200x128xi32, #tpu.memory_space<vmem>> -> memref<1x128xi32, #tpu.memory_space<vmem>>
      %dma_start3A_348 = tpu.memref_squeeze %dma_start3A_347 : memref<1x128xi32, #tpu.memory_space<vmem>> -> memref<128xi32, #tpu.memory_space<vmem>>
      %dma_start3A_349 = arith.constant 0 : i32
      %dma_start3A_350 = arith.constant 0 : i32
      %dma_start3A_351 = tpu.memref_slice %arg3[%dma_start3A_349, %dma_start3A_350] : memref<1000000x32xf32, #tpu.memory_space<hbm>> -> memref<1000000x32xf32, #tpu.memory_space<hbm>>
      tpu.enqueue_indirect_dma source(%dma_start3A_351 : memref<1000000x32xf32, #tpu.memory_space<hbm>>) target(%dma_start3A_345 : memref<128x32xf32, #tpu.memory_space<vmem>>) offsets(%dma_start3A_348 : memref<128xi32, #tpu.memory_space<vmem>>) semaphore(%arg10 : memref<!tpu.dma_semaphore, #tpu.memory_space<semaphore_mem>>)
      %mul3A_352 = arith.constant 5 : i32
      %mul3A_353 = arith.muli %add3A_293, %mul3A_352 : i32
      %add3A_354 = arith.constant 4 : i32
      %add3A_355 = arith.addi %mul3A_353, %add3A_354 : i32
      %dma_start3A_356 = arith.constant 512 : i32
      %dma_start3A_357 = arith.constant 0 : i32
      %dma_start3A_358 = tpu.memref_slice %arg6[%dma_start3A_356, %dma_start3A_357] : memref<640x32xf32, #tpu.memory_space<vmem>> -> memref<128x32xf32, #tpu.memory_space<vmem>>
      %dma_start3A_359 = arith.constant 0 : i32
      %dma_start3A_360 = tpu.memref_slice %arg5[%add3A_355, %dma_start3A_359] : memref<200x128xi32, #tpu.memory_space<vmem>> -> memref<1x128xi32, #tpu.memory_space<vmem>>
      %dma_start3A_361 = tpu.memref_squeeze %dma_start3A_360 : memref<1x128xi32, #tpu.memory_space<vmem>> -> memref<128xi32, #tpu.memory_space<vmem>>
      %dma_start3A_362 = arith.constant 0 : i32
      %dma_start3A_363 = arith.constant 0 : i32
      %dma_start3A_364 = tpu.memref_slice %arg3[%dma_start3A_362, %dma_start3A_363] : memref<1000000x32xf32, #tpu.memory_space<hbm>> -> memref<1000000x32xf32, #tpu.memory_space<hbm>>
      tpu.enqueue_indirect_dma source(%dma_start3A_364 : memref<1000000x32xf32, #tpu.memory_space<hbm>>) target(%dma_start3A_358 : memref<128x32xf32, #tpu.memory_space<vmem>>) offsets(%dma_start3A_361 : memref<128xi32, #tpu.memory_space<vmem>>) semaphore(%arg10 : memref<!tpu.dma_semaphore, #tpu.memory_space<semaphore_mem>>)
      %dma_wait3A_365 = arith.constant 0 : i32
      %dma_wait3A_366 = arith.constant 0 : i32
      %dma_wait3A_367 = tpu.memref_slice %arg3[%dma_wait3A_365, %dma_wait3A_366] : memref<1000000x32xf32, #tpu.memory_space<hbm>> -> memref<640x32xf32, #tpu.memory_space<hbm>>
      %dma_wait3A_368 = arith.constant 0 : i32
      %dma_wait3A_369 = arith.constant 0 : i32
      %dma_wait3A_370 = tpu.memref_slice %arg3[%dma_wait3A_368, %dma_wait3A_369] : memref<1000000x32xf32, #tpu.memory_space<hbm>> -> memref<640x32xf32, #tpu.memory_space<hbm>>
      tpu.wait_dma2 semaphore(%arg12 : memref<!tpu.dma_semaphore, #tpu.memory_space<semaphore_mem>>) src(%dma_wait3A_370 : memref<640x32xf32, #tpu.memory_space<hbm>>) dst(%arg8 : memref<640x32xf32, #tpu.memory_space<vmem>>)
      %mul3A_371 = arith.constant 5 : i32
      %mul3A_372 = arith.muli %add3A_291, %mul3A_371 : i32
      %add3A_373 = arith.addi %mul3A_2, %mul3A_372 : i32
      %mul3A_374 = arith.constant 128 : i32
      %mul3A_375 = arith.muli %add3A_373, %mul3A_374 : i32
      %dma_start3A_376 = arith.constant 0 : i32
      %dma_start3A_377 = tpu.memref_slice %arg4[%mul3A_375, %dma_start3A_376] : memref<819200x32xf32, #tpu.memory_space<hbm>> -> memref<640x32xf32, #tpu.memory_space<hbm>>
      %dma_start3A_378 = arith.constant 0 : i32
      %dma_start3A_379 = tpu.memref_slice %arg4[%mul3A_375, %dma_start3A_378] : memref<819200x32xf32, #tpu.memory_space<hbm>> -> memref<640x32xf32, #tpu.memory_space<hbm>>
      tpu.enqueue_dma source(%arg8 : memref<640x32xf32, #tpu.memory_space<vmem>>) target(%dma_start3A_379 : memref<640x32xf32, #tpu.memory_space<hbm>>) target_semaphore(%arg16 : memref<!tpu.dma_semaphore, #tpu.memory_space<semaphore_mem>>)
      %add3A_380 = arith.constant 1 : i32
      %add3A_381 = arith.addi %add3A_289, %add3A_380 : i32
      %add3A_382 = arith.constant 2 : i32
      %add3A_383 = arith.addi %add3A_381, %add3A_382 : i32
      %dma_wait3A_384 = arith.constant 0 : i32
      %dma_wait3A_385 = arith.constant 0 : i32
      %dma_wait3A_386 = tpu.memref_slice %arg4[%dma_wait3A_384, %dma_wait3A_385] : memref<819200x32xf32, #tpu.memory_space<hbm>> -> memref<640x32xf32, #tpu.memory_space<hbm>>
      %dma_wait3A_387 = arith.constant 0 : i32
      %dma_wait3A_388 = arith.constant 0 : i32
      %dma_wait3A_389 = tpu.memref_slice %arg4[%dma_wait3A_387, %dma_wait3A_388] : memref<819200x32xf32, #tpu.memory_space<hbm>> -> memref<640x32xf32, #tpu.memory_space<hbm>>
      tpu.wait_dma2 semaphore(%arg15 : memref<!tpu.dma_semaphore, #tpu.memory_space<semaphore_mem>>) src(%arg7 : memref<640x32xf32, #tpu.memory_space<vmem>>) dst(%dma_wait3A_389 : memref<640x32xf32, #tpu.memory_space<hbm>>)
      %mul3A_390 = arith.constant 5 : i32
      %mul3A_391 = arith.muli %add3A_383, %mul3A_390 : i32
      %add3A_392 = arith.constant 0 : i32
      %add3A_393 = arith.addi %mul3A_391, %add3A_392 : i32
      %dma_start3A_394 = arith.constant 0 : i32
      %dma_start3A_395 = arith.constant 0 : i32
      %dma_start3A_396 = tpu.memref_slice %arg7[%dma_start3A_394, %dma_start3A_395] : memref<640x32xf32, #tpu.memory_space<vmem>> -> memref<128x32xf32, #tpu.memory_space<vmem>>
      %dma_start3A_397 = arith.constant 0 : i32
      %dma_start3A_398 = tpu.memref_slice %arg5[%add3A_393, %dma_start3A_397] : memref<200x128xi32, #tpu.memory_space<vmem>> -> memref<1x128xi32, #tpu.memory_space<vmem>>
      %dma_start3A_399 = tpu.memref_squeeze %dma_start3A_398 : memref<1x128xi32, #tpu.memory_space<vmem>> -> memref<128xi32, #tpu.memory_space<vmem>>
      %dma_start3A_400 = arith.constant 0 : i32
      %dma_start3A_401 = arith.constant 0 : i32
      %dma_start3A_402 = tpu.memref_slice %arg3[%dma_start3A_400, %dma_start3A_401] : memref<1000000x32xf32, #tpu.memory_space<hbm>> -> memref<1000000x32xf32, #tpu.memory_space<hbm>>
      tpu.enqueue_indirect_dma source(%dma_start3A_402 : memref<1000000x32xf32, #tpu.memory_space<hbm>>) target(%dma_start3A_396 : memref<128x32xf32, #tpu.memory_space<vmem>>) offsets(%dma_start3A_399 : memref<128xi32, #tpu.memory_space<vmem>>) semaphore(%arg11 : memref<!tpu.dma_semaphore, #tpu.memory_space<semaphore_mem>>)
      %mul3A_403 = arith.constant 5 : i32
      %mul3A_404 = arith.muli %add3A_383, %mul3A_403 : i32
      %add3A_405 = arith.constant 1 : i32
      %add3A_406 = arith.addi %mul3A_404, %add3A_405 : i32
      %dma_start3A_407 = arith.constant 128 : i32
      %dma_start3A_408 = arith.constant 0 : i32
      %dma_start3A_409 = tpu.memref_slice %arg7[%dma_start3A_407, %dma_start3A_408] : memref<640x32xf32, #tpu.memory_space<vmem>> -> memref<128x32xf32, #tpu.memory_space<vmem>>
      %dma_start3A_410 = arith.constant 0 : i32
      %dma_start3A_411 = tpu.memref_slice %arg5[%add3A_406, %dma_start3A_410] : memref<200x128xi32, #tpu.memory_space<vmem>> -> memref<1x128xi32, #tpu.memory_space<vmem>>
      %dma_start3A_412 = tpu.memref_squeeze %dma_start3A_411 : memref<1x128xi32, #tpu.memory_space<vmem>> -> memref<128xi32, #tpu.memory_space<vmem>>
      %dma_start3A_413 = arith.constant 0 : i32
      %dma_start3A_414 = arith.constant 0 : i32
      %dma_start3A_415 = tpu.memref_slice %arg3[%dma_start3A_413, %dma_start3A_414] : memref<1000000x32xf32, #tpu.memory_space<hbm>> -> memref<1000000x32xf32, #tpu.memory_space<hbm>>
      tpu.enqueue_indirect_dma source(%dma_start3A_415 : memref<1000000x32xf32, #tpu.memory_space<hbm>>) target(%dma_start3A_409 : memref<128x32xf32, #tpu.memory_space<vmem>>) offsets(%dma_start3A_412 : memref<128xi32, #tpu.memory_space<vmem>>) semaphore(%arg11 : memref<!tpu.dma_semaphore, #tpu.memory_space<semaphore_mem>>)
      %mul3A_416 = arith.constant 5 : i32
      %mul3A_417 = arith.muli %add3A_383, %mul3A_416 : i32
      %add3A_418 = arith.constant 2 : i32
      %add3A_419 = arith.addi %mul3A_417, %add3A_418 : i32
      %dma_start3A_420 = arith.constant 256 : i32
      %dma_start3A_421 = arith.constant 0 : i32
      %dma_start3A_422 = tpu.memref_slice %arg7[%dma_start3A_420, %dma_start3A_421] : memref<640x32xf32, #tpu.memory_space<vmem>> -> memref<128x32xf32, #tpu.memory_space<vmem>>
      %dma_start3A_423 = arith.constant 0 : i32
      %dma_start3A_424 = tpu.memref_slice %arg5[%add3A_419, %dma_start3A_423] : memref<200x128xi32, #tpu.memory_space<vmem>> -> memref<1x128xi32, #tpu.memory_space<vmem>>
      %dma_start3A_425 = tpu.memref_squeeze %dma_start3A_424 : memref<1x128xi32, #tpu.memory_space<vmem>> -> memref<128xi32, #tpu.memory_space<vmem>>
      %dma_start3A_426 = arith.constant 0 : i32
      %dma_start3A_427 = arith.constant 0 : i32
      %dma_start3A_428 = tpu.memref_slice %arg3[%dma_start3A_426, %dma_start3A_427] : memref<1000000x32xf32, #tpu.memory_space<hbm>> -> memref<1000000x32xf32, #tpu.memory_space<hbm>>
      tpu.enqueue_indirect_dma source(%dma_start3A_428 : memref<1000000x32xf32, #tpu.memory_space<hbm>>) target(%dma_start3A_422 : memref<128x32xf32, #tpu.memory_space<vmem>>) offsets(%dma_start3A_425 : memref<128xi32, #tpu.memory_space<vmem>>) semaphore(%arg11 : memref<!tpu.dma_semaphore, #tpu.memory_space<semaphore_mem>>)
      %mul3A_429 = arith.constant 5 : i32
      %mul3A_430 = arith.muli %add3A_383, %mul3A_429 : i32
      %add3A_431 = arith.constant 3 : i32
      %add3A_432 = arith.addi %mul3A_430, %add3A_431 : i32
      %dma_start3A_433 = arith.constant 384 : i32
      %dma_start3A_434 = arith.constant 0 : i32
      %dma_start3A_435 = tpu.memref_slice %arg7[%dma_start3A_433, %dma_start3A_434] : memref<640x32xf32, #tpu.memory_space<vmem>> -> memref<128x32xf32, #tpu.memory_space<vmem>>
      %dma_start3A_436 = arith.constant 0 : i32
      %dma_start3A_437 = tpu.memref_slice %arg5[%add3A_432, %dma_start3A_436] : memref<200x128xi32, #tpu.memory_space<vmem>> -> memref<1x128xi32, #tpu.memory_space<vmem>>
      %dma_start3A_438 = tpu.memref_squeeze %dma_start3A_437 : memref<1x128xi32, #tpu.memory_space<vmem>> -> memref<128xi32, #tpu.memory_space<vmem>>
      %dma_start3A_439 = arith.constant 0 : i32
      %dma_start3A_440 = arith.constant 0 : i32
      %dma_start3A_441 = tpu.memref_slice %arg3[%dma_start3A_439, %dma_start3A_440] : memref<1000000x32xf32, #tpu.memory_space<hbm>> -> memref<1000000x32xf32, #tpu.memory_space<hbm>>
      tpu.enqueue_indirect_dma source(%dma_start3A_441 : memref<1000000x32xf32, #tpu.memory_space<hbm>>) target(%dma_start3A_435 : memref<128x32xf32, #tpu.memory_space<vmem>>) offsets(%dma_start3A_438 : memref<128xi32, #tpu.memory_space<vmem>>) semaphore(%arg11 : memref<!tpu.dma_semaphore, #tpu.memory_space<semaphore_mem>>)
      %mul3A_442 = arith.constant 5 : i32
      %mul3A_443 = arith.muli %add3A_383, %mul3A_442 : i32
      %add3A_444 = arith.constant 4 : i32
      %add3A_445 = arith.addi %mul3A_443, %add3A_444 : i32
      %dma_start3A_446 = arith.constant 512 : i32
      %dma_start3A_447 = arith.constant 0 : i32
      %dma_start3A_448 = tpu.memref_slice %arg7[%dma_start3A_446, %dma_start3A_447] : memref<640x32xf32, #tpu.memory_space<vmem>> -> memref<128x32xf32, #tpu.memory_space<vmem>>
      %dma_start3A_449 = arith.constant 0 : i32
      %dma_start3A_450 = tpu.memref_slice %arg5[%add3A_445, %dma_start3A_449] : memref<200x128xi32, #tpu.memory_space<vmem>> -> memref<1x128xi32, #tpu.memory_space<vmem>>
      %dma_start3A_451 = tpu.memref_squeeze %dma_start3A_450 : memref<1x128xi32, #tpu.memory_space<vmem>> -> memref<128xi32, #tpu.memory_space<vmem>>
      %dma_start3A_452 = arith.constant 0 : i32
      %dma_start3A_453 = arith.constant 0 : i32
      %dma_start3A_454 = tpu.memref_slice %arg3[%dma_start3A_452, %dma_start3A_453] : memref<1000000x32xf32, #tpu.memory_space<hbm>> -> memref<1000000x32xf32, #tpu.memory_space<hbm>>
      tpu.enqueue_indirect_dma source(%dma_start3A_454 : memref<1000000x32xf32, #tpu.memory_space<hbm>>) target(%dma_start3A_448 : memref<128x32xf32, #tpu.memory_space<vmem>>) offsets(%dma_start3A_451 : memref<128xi32, #tpu.memory_space<vmem>>) semaphore(%arg11 : memref<!tpu.dma_semaphore, #tpu.memory_space<semaphore_mem>>)
      %dma_wait3A_455 = arith.constant 0 : i32
      %dma_wait3A_456 = arith.constant 0 : i32
      %dma_wait3A_457 = tpu.memref_slice %arg3[%dma_wait3A_455, %dma_wait3A_456] : memref<1000000x32xf32, #tpu.memory_space<hbm>> -> memref<640x32xf32, #tpu.memory_space<hbm>>
      %dma_wait3A_458 = arith.constant 0 : i32
      %dma_wait3A_459 = arith.constant 0 : i32
      %dma_wait3A_460 = tpu.memref_slice %arg3[%dma_wait3A_458, %dma_wait3A_459] : memref<1000000x32xf32, #tpu.memory_space<hbm>> -> memref<640x32xf32, #tpu.memory_space<hbm>>
      tpu.wait_dma2 semaphore(%arg13 : memref<!tpu.dma_semaphore, #tpu.memory_space<semaphore_mem>>) src(%dma_wait3A_460 : memref<640x32xf32, #tpu.memory_space<hbm>>) dst(%arg9 : memref<640x32xf32, #tpu.memory_space<vmem>>)
      %mul3A_461 = arith.constant 5 : i32
      %mul3A_462 = arith.muli %add3A_381, %mul3A_461 : i32
      %add3A_463 = arith.addi %mul3A_2, %mul3A_462 : i32
      %mul3A_464 = arith.constant 128 : i32
      %mul3A_465 = arith.muli %add3A_463, %mul3A_464 : i32
      %dma_start3A_466 = arith.constant 0 : i32
      %dma_start3A_467 = tpu.memref_slice %arg4[%mul3A_465, %dma_start3A_466] : memref<819200x32xf32, #tpu.memory_space<hbm>> -> memref<640x32xf32, #tpu.memory_space<hbm>>
      %dma_start3A_468 = arith.constant 0 : i32
      %dma_start3A_469 = tpu.memref_slice %arg4[%mul3A_465, %dma_start3A_468] : memref<819200x32xf32, #tpu.memory_space<hbm>> -> memref<640x32xf32, #tpu.memory_space<hbm>>
      tpu.enqueue_dma source(%arg9 : memref<640x32xf32, #tpu.memory_space<vmem>>) target(%dma_start3A_469 : memref<640x32xf32, #tpu.memory_space<hbm>>) target_semaphore(%arg17 : memref<!tpu.dma_semaphore, #tpu.memory_space<semaphore_mem>>)
      %add3A_470 = arith.constant 2 : i32
      %add3A_471 = arith.addi %add3A_289, %add3A_470 : i32
      %add3A_472 = arith.constant 2 : i32
      %add3A_473 = arith.addi %add3A_471, %add3A_472 : i32
      %dma_wait3A_474 = arith.constant 0 : i32
      %dma_wait3A_475 = arith.constant 0 : i32
      %dma_wait3A_476 = tpu.memref_slice %arg4[%dma_wait3A_474, %dma_wait3A_475] : memref<819200x32xf32, #tpu.memory_space<hbm>> -> memref<640x32xf32, #tpu.memory_space<hbm>>
      %dma_wait3A_477 = arith.constant 0 : i32
      %dma_wait3A_478 = arith.constant 0 : i32
      %dma_wait3A_479 = tpu.memref_slice %arg4[%dma_wait3A_477, %dma_wait3A_478] : memref<819200x32xf32, #tpu.memory_space<hbm>> -> memref<640x32xf32, #tpu.memory_space<hbm>>
      tpu.wait_dma2 semaphore(%arg16 : memref<!tpu.dma_semaphore, #tpu.memory_space<semaphore_mem>>) src(%arg8 : memref<640x32xf32, #tpu.memory_space<vmem>>) dst(%dma_wait3A_479 : memref<640x32xf32, #tpu.memory_space<hbm>>)
      %mul3A_480 = arith.constant 5 : i32
      %mul3A_481 = arith.muli %add3A_473, %mul3A_480 : i32
      %add3A_482 = arith.constant 0 : i32
      %add3A_483 = arith.addi %mul3A_481, %add3A_482 : i32
      %dma_start3A_484 = arith.constant 0 : i32
      %dma_start3A_485 = arith.constant 0 : i32
      %dma_start3A_486 = tpu.memref_slice %arg8[%dma_start3A_484, %dma_start3A_485] : memref<640x32xf32, #tpu.memory_space<vmem>> -> memref<128x32xf32, #tpu.memory_space<vmem>>
      %dma_start3A_487 = arith.constant 0 : i32
      %dma_start3A_488 = tpu.memref_slice %arg5[%add3A_483, %dma_start3A_487] : memref<200x128xi32, #tpu.memory_space<vmem>> -> memref<1x128xi32, #tpu.memory_space<vmem>>
      %dma_start3A_489 = tpu.memref_squeeze %dma_start3A_488 : memref<1x128xi32, #tpu.memory_space<vmem>> -> memref<128xi32, #tpu.memory_space<vmem>>
      %dma_start3A_490 = arith.constant 0 : i32
      %dma_start3A_491 = arith.constant 0 : i32
      %dma_start3A_492 = tpu.memref_slice %arg3[%dma_start3A_490, %dma_start3A_491] : memref<1000000x32xf32, #tpu.memory_space<hbm>> -> memref<1000000x32xf32, #tpu.memory_space<hbm>>
      tpu.enqueue_indirect_dma source(%dma_start3A_492 : memref<1000000x32xf32, #tpu.memory_space<hbm>>) target(%dma_start3A_486 : memref<128x32xf32, #tpu.memory_space<vmem>>) offsets(%dma_start3A_489 : memref<128xi32, #tpu.memory_space<vmem>>) semaphore(%arg12 : memref<!tpu.dma_semaphore, #tpu.memory_space<semaphore_mem>>)
      %mul3A_493 = arith.constant 5 : i32
      %mul3A_494 = arith.muli %add3A_473, %mul3A_493 : i32
      %add3A_495 = arith.constant 1 : i32
      %add3A_496 = arith.addi %mul3A_494, %add3A_495 : i32
      %dma_start3A_497 = arith.constant 128 : i32
      %dma_start3A_498 = arith.constant 0 : i32
      %dma_start3A_499 = tpu.memref_slice %arg8[%dma_start3A_497, %dma_start3A_498] : memref<640x32xf32, #tpu.memory_space<vmem>> -> memref<128x32xf32, #tpu.memory_space<vmem>>
      %dma_start3A_500 = arith.constant 0 : i32
      %dma_start3A_501 = tpu.memref_slice %arg5[%add3A_496, %dma_start3A_500] : memref<200x128xi32, #tpu.memory_space<vmem>> -> memref<1x128xi32, #tpu.memory_space<vmem>>
      %dma_start3A_502 = tpu.memref_squeeze %dma_start3A_501 : memref<1x128xi32, #tpu.memory_space<vmem>> -> memref<128xi32, #tpu.memory_space<vmem>>
      %dma_start3A_503 = arith.constant 0 : i32
      %dma_start3A_504 = arith.constant 0 : i32
      %dma_start3A_505 = tpu.memref_slice %arg3[%dma_start3A_503, %dma_start3A_504] : memref<1000000x32xf32, #tpu.memory_space<hbm>> -> memref<1000000x32xf32, #tpu.memory_space<hbm>>
      tpu.enqueue_indirect_dma source(%dma_start3A_505 : memref<1000000x32xf32, #tpu.memory_space<hbm>>) target(%dma_start3A_499 : memref<128x32xf32, #tpu.memory_space<vmem>>) offsets(%dma_start3A_502 : memref<128xi32, #tpu.memory_space<vmem>>) semaphore(%arg12 : memref<!tpu.dma_semaphore, #tpu.memory_space<semaphore_mem>>)
      %mul3A_506 = arith.constant 5 : i32
      %mul3A_507 = arith.muli %add3A_473, %mul3A_506 : i32
      %add3A_508 = arith.constant 2 : i32
      %add3A_509 = arith.addi %mul3A_507, %add3A_508 : i32
      %dma_start3A_510 = arith.constant 256 : i32
      %dma_start3A_511 = arith.constant 0 : i32
      %dma_start3A_512 = tpu.memref_slice %arg8[%dma_start3A_510, %dma_start3A_511] : memref<640x32xf32, #tpu.memory_space<vmem>> -> memref<128x32xf32, #tpu.memory_space<vmem>>
      %dma_start3A_513 = arith.constant 0 : i32
      %dma_start3A_514 = tpu.memref_slice %arg5[%add3A_509, %dma_start3A_513] : memref<200x128xi32, #tpu.memory_space<vmem>> -> memref<1x128xi32, #tpu.memory_space<vmem>>
      %dma_start3A_515 = tpu.memref_squeeze %dma_start3A_514 : memref<1x128xi32, #tpu.memory_space<vmem>> -> memref<128xi32, #tpu.memory_space<vmem>>
      %dma_start3A_516 = arith.constant 0 : i32
      %dma_start3A_517 = arith.constant 0 : i32
      %dma_start3A_518 = tpu.memref_slice %arg3[%dma_start3A_516, %dma_start3A_517] : memref<1000000x32xf32, #tpu.memory_space<hbm>> -> memref<1000000x32xf32, #tpu.memory_space<hbm>>
      tpu.enqueue_indirect_dma source(%dma_start3A_518 : memref<1000000x32xf32, #tpu.memory_space<hbm>>) target(%dma_start3A_512 : memref<128x32xf32, #tpu.memory_space<vmem>>) offsets(%dma_start3A_515 : memref<128xi32, #tpu.memory_space<vmem>>) semaphore(%arg12 : memref<!tpu.dma_semaphore, #tpu.memory_space<semaphore_mem>>)
      %mul3A_519 = arith.constant 5 : i32
      %mul3A_520 = arith.muli %add3A_473, %mul3A_519 : i32
      %add3A_521 = arith.constant 3 : i32
      %add3A_522 = arith.addi %mul3A_520, %add3A_521 : i32
      %dma_start3A_523 = arith.constant 384 : i32
      %dma_start3A_524 = arith.constant 0 : i32
      %dma_start3A_525 = tpu.memref_slice %arg8[%dma_start3A_523, %dma_start3A_524] : memref<640x32xf32, #tpu.memory_space<vmem>> -> memref<128x32xf32, #tpu.memory_space<vmem>>
      %dma_start3A_526 = arith.constant 0 : i32
      %dma_start3A_527 = tpu.memref_slice %arg5[%add3A_522, %dma_start3A_526] : memref<200x128xi32, #tpu.memory_space<vmem>> -> memref<1x128xi32, #tpu.memory_space<vmem>>
      %dma_start3A_528 = tpu.memref_squeeze %dma_start3A_527 : memref<1x128xi32, #tpu.memory_space<vmem>> -> memref<128xi32, #tpu.memory_space<vmem>>
      %dma_start3A_529 = arith.constant 0 : i32
      %dma_start3A_530 = arith.constant 0 : i32
      %dma_start3A_531 = tpu.memref_slice %arg3[%dma_start3A_529, %dma_start3A_530] : memref<1000000x32xf32, #tpu.memory_space<hbm>> -> memref<1000000x32xf32, #tpu.memory_space<hbm>>
      tpu.enqueue_indirect_dma source(%dma_start3A_531 : memref<1000000x32xf32, #tpu.memory_space<hbm>>) target(%dma_start3A_525 : memref<128x32xf32, #tpu.memory_space<vmem>>) offsets(%dma_start3A_528 : memref<128xi32, #tpu.memory_space<vmem>>) semaphore(%arg12 : memref<!tpu.dma_semaphore, #tpu.memory_space<semaphore_mem>>)
      %mul3A_532 = arith.constant 5 : i32
      %mul3A_533 = arith.muli %add3A_473, %mul3A_532 : i32
      %add3A_534 = arith.constant 4 : i32
      %add3A_535 = arith.addi %mul3A_533, %add3A_534 : i32
      %dma_start3A_536 = arith.constant 512 : i32
      %dma_start3A_537 = arith.constant 0 : i32
      %dma_start3A_538 = tpu.memref_slice %arg8[%dma_start3A_536, %dma_start3A_537] : memref<640x32xf32, #tpu.memory_space<vmem>> -> memref<128x32xf32, #tpu.memory_space<vmem>>
      %dma_start3A_539 = arith.constant 0 : i32
      %dma_start3A_540 = tpu.memref_slice %arg5[%add3A_535, %dma_start3A_539] : memref<200x128xi32, #tpu.memory_space<vmem>> -> memref<1x128xi32, #tpu.memory_space<vmem>>
      %dma_start3A_541 = tpu.memref_squeeze %dma_start3A_540 : memref<1x128xi32, #tpu.memory_space<vmem>> -> memref<128xi32, #tpu.memory_space<vmem>>
      %dma_start3A_542 = arith.constant 0 : i32
      %dma_start3A_543 = arith.constant 0 : i32
      %dma_start3A_544 = tpu.memref_slice %arg3[%dma_start3A_542, %dma_start3A_543] : memref<1000000x32xf32, #tpu.memory_space<hbm>> -> memref<1000000x32xf32, #tpu.memory_space<hbm>>
      tpu.enqueue_indirect_dma source(%dma_start3A_544 : memref<1000000x32xf32, #tpu.memory_space<hbm>>) target(%dma_start3A_538 : memref<128x32xf32, #tpu.memory_space<vmem>>) offsets(%dma_start3A_541 : memref<128xi32, #tpu.memory_space<vmem>>) semaphore(%arg12 : memref<!tpu.dma_semaphore, #tpu.memory_space<semaphore_mem>>)
      %dma_wait3A_545 = arith.constant 0 : i32
      %dma_wait3A_546 = arith.constant 0 : i32
      %dma_wait3A_547 = tpu.memref_slice %arg3[%dma_wait3A_545, %dma_wait3A_546] : memref<1000000x32xf32, #tpu.memory_space<hbm>> -> memref<640x32xf32, #tpu.memory_space<hbm>>
      %dma_wait3A_548 = arith.constant 0 : i32
      %dma_wait3A_549 = arith.constant 0 : i32
      %dma_wait3A_550 = tpu.memref_slice %arg3[%dma_wait3A_548, %dma_wait3A_549] : memref<1000000x32xf32, #tpu.memory_space<hbm>> -> memref<640x32xf32, #tpu.memory_space<hbm>>
      tpu.wait_dma2 semaphore(%arg10 : memref<!tpu.dma_semaphore, #tpu.memory_space<semaphore_mem>>) src(%dma_wait3A_550 : memref<640x32xf32, #tpu.memory_space<hbm>>) dst(%arg6 : memref<640x32xf32, #tpu.memory_space<vmem>>)
      %mul3A_551 = arith.constant 5 : i32
      %mul3A_552 = arith.muli %add3A_471, %mul3A_551 : i32
      %add3A_553 = arith.addi %mul3A_2, %mul3A_552 : i32
      %mul3A_554 = arith.constant 128 : i32
      %mul3A_555 = arith.muli %add3A_553, %mul3A_554 : i32
      %dma_start3A_556 = arith.constant 0 : i32
      %dma_start3A_557 = tpu.memref_slice %arg4[%mul3A_555, %dma_start3A_556] : memref<819200x32xf32, #tpu.memory_space<hbm>> -> memref<640x32xf32, #tpu.memory_space<hbm>>
      %dma_start3A_558 = arith.constant 0 : i32
      %dma_start3A_559 = tpu.memref_slice %arg4[%mul3A_555, %dma_start3A_558] : memref<819200x32xf32, #tpu.memory_space<hbm>> -> memref<640x32xf32, #tpu.memory_space<hbm>>
      tpu.enqueue_dma source(%arg6 : memref<640x32xf32, #tpu.memory_space<vmem>>) target(%dma_start3A_559 : memref<640x32xf32, #tpu.memory_space<hbm>>) target_semaphore(%arg14 : memref<!tpu.dma_semaphore, #tpu.memory_space<semaphore_mem>>)
      %add3A_560 = arith.constant 3 : i32
      %add3A_561 = arith.addi %add3A_289, %add3A_560 : i32
      %add3A_562 = arith.constant 2 : i32
      %add3A_563 = arith.addi %add3A_561, %add3A_562 : i32
      %dma_wait3A_564 = arith.constant 0 : i32
      %dma_wait3A_565 = arith.constant 0 : i32
      %dma_wait3A_566 = tpu.memref_slice %arg4[%dma_wait3A_564, %dma_wait3A_565] : memref<819200x32xf32, #tpu.memory_space<hbm>> -> memref<640x32xf32, #tpu.memory_space<hbm>>
      %dma_wait3A_567 = arith.constant 0 : i32
      %dma_wait3A_568 = arith.constant 0 : i32
      %dma_wait3A_569 = tpu.memref_slice %arg4[%dma_wait3A_567, %dma_wait3A_568] : memref<819200x32xf32, #tpu.memory_space<hbm>> -> memref<640x32xf32, #tpu.memory_space<hbm>>
      tpu.wait_dma2 semaphore(%arg17 : memref<!tpu.dma_semaphore, #tpu.memory_space<semaphore_mem>>) src(%arg9 : memref<640x32xf32, #tpu.memory_space<vmem>>) dst(%dma_wait3A_569 : memref<640x32xf32, #tpu.memory_space<hbm>>)
      %mul3A_570 = arith.constant 5 : i32
      %mul3A_571 = arith.muli %add3A_563, %mul3A_570 : i32
      %add3A_572 = arith.constant 0 : i32
      %add3A_573 = arith.addi %mul3A_571, %add3A_572 : i32
      %dma_start3A_574 = arith.constant 0 : i32
      %dma_start3A_575 = arith.constant 0 : i32
      %dma_start3A_576 = tpu.memref_slice %arg9[%dma_start3A_574, %dma_start3A_575] : memref<640x32xf32, #tpu.memory_space<vmem>> -> memref<128x32xf32, #tpu.memory_space<vmem>>
      %dma_start3A_577 = arith.constant 0 : i32
      %dma_start3A_578 = tpu.memref_slice %arg5[%add3A_573, %dma_start3A_577] : memref<200x128xi32, #tpu.memory_space<vmem>> -> memref<1x128xi32, #tpu.memory_space<vmem>>
      %dma_start3A_579 = tpu.memref_squeeze %dma_start3A_578 : memref<1x128xi32, #tpu.memory_space<vmem>> -> memref<128xi32, #tpu.memory_space<vmem>>
      %dma_start3A_580 = arith.constant 0 : i32
      %dma_start3A_581 = arith.constant 0 : i32
      %dma_start3A_582 = tpu.memref_slice %arg3[%dma_start3A_580, %dma_start3A_581] : memref<1000000x32xf32, #tpu.memory_space<hbm>> -> memref<1000000x32xf32, #tpu.memory_space<hbm>>
      tpu.enqueue_indirect_dma source(%dma_start3A_582 : memref<1000000x32xf32, #tpu.memory_space<hbm>>) target(%dma_start3A_576 : memref<128x32xf32, #tpu.memory_space<vmem>>) offsets(%dma_start3A_579 : memref<128xi32, #tpu.memory_space<vmem>>) semaphore(%arg13 : memref<!tpu.dma_semaphore, #tpu.memory_space<semaphore_mem>>)
      %mul3A_583 = arith.constant 5 : i32
      %mul3A_584 = arith.muli %add3A_563, %mul3A_583 : i32
      %add3A_585 = arith.constant 1 : i32
      %add3A_586 = arith.addi %mul3A_584, %add3A_585 : i32
      %dma_start3A_587 = arith.constant 128 : i32
      %dma_start3A_588 = arith.constant 0 : i32
      %dma_start3A_589 = tpu.memref_slice %arg9[%dma_start3A_587, %dma_start3A_588] : memref<640x32xf32, #tpu.memory_space<vmem>> -> memref<128x32xf32, #tpu.memory_space<vmem>>
      %dma_start3A_590 = arith.constant 0 : i32
      %dma_start3A_591 = tpu.memref_slice %arg5[%add3A_586, %dma_start3A_590] : memref<200x128xi32, #tpu.memory_space<vmem>> -> memref<1x128xi32, #tpu.memory_space<vmem>>
      %dma_start3A_592 = tpu.memref_squeeze %dma_start3A_591 : memref<1x128xi32, #tpu.memory_space<vmem>> -> memref<128xi32, #tpu.memory_space<vmem>>
      %dma_start3A_593 = arith.constant 0 : i32
      %dma_start3A_594 = arith.constant 0 : i32
      %dma_start3A_595 = tpu.memref_slice %arg3[%dma_start3A_593, %dma_start3A_594] : memref<1000000x32xf32, #tpu.memory_space<hbm>> -> memref<1000000x32xf32, #tpu.memory_space<hbm>>
      tpu.enqueue_indirect_dma source(%dma_start3A_595 : memref<1000000x32xf32, #tpu.memory_space<hbm>>) target(%dma_start3A_589 : memref<128x32xf32, #tpu.memory_space<vmem>>) offsets(%dma_start3A_592 : memref<128xi32, #tpu.memory_space<vmem>>) semaphore(%arg13 : memref<!tpu.dma_semaphore, #tpu.memory_space<semaphore_mem>>)
      %mul3A_596 = arith.constant 5 : i32
      %mul3A_597 = arith.muli %add3A_563, %mul3A_596 : i32
      %add3A_598 = arith.constant 2 : i32
      %add3A_599 = arith.addi %mul3A_597, %add3A_598 : i32
      %dma_start3A_600 = arith.constant 256 : i32
      %dma_start3A_601 = arith.constant 0 : i32
      %dma_start3A_602 = tpu.memref_slice %arg9[%dma_start3A_600, %dma_start3A_601] : memref<640x32xf32, #tpu.memory_space<vmem>> -> memref<128x32xf32, #tpu.memory_space<vmem>>
      %dma_start3A_603 = arith.constant 0 : i32
      %dma_start3A_604 = tpu.memref_slice %arg5[%add3A_599, %dma_start3A_603] : memref<200x128xi32, #tpu.memory_space<vmem>> -> memref<1x128xi32, #tpu.memory_space<vmem>>
      %dma_start3A_605 = tpu.memref_squeeze %dma_start3A_604 : memref<1x128xi32, #tpu.memory_space<vmem>> -> memref<128xi32, #tpu.memory_space<vmem>>
      %dma_start3A_606 = arith.constant 0 : i32
      %dma_start3A_607 = arith.constant 0 : i32
      %dma_start3A_608 = tpu.memref_slice %arg3[%dma_start3A_606, %dma_start3A_607] : memref<1000000x32xf32, #tpu.memory_space<hbm>> -> memref<1000000x32xf32, #tpu.memory_space<hbm>>
      tpu.enqueue_indirect_dma source(%dma_start3A_608 : memref<1000000x32xf32, #tpu.memory_space<hbm>>) target(%dma_start3A_602 : memref<128x32xf32, #tpu.memory_space<vmem>>) offsets(%dma_start3A_605 : memref<128xi32, #tpu.memory_space<vmem>>) semaphore(%arg13 : memref<!tpu.dma_semaphore, #tpu.memory_space<semaphore_mem>>)
      %mul3A_609 = arith.constant 5 : i32
      %mul3A_610 = arith.muli %add3A_563, %mul3A_609 : i32
      %add3A_611 = arith.constant 3 : i32
      %add3A_612 = arith.addi %mul3A_610, %add3A_611 : i32
      %dma_start3A_613 = arith.constant 384 : i32
      %dma_start3A_614 = arith.constant 0 : i32
      %dma_start3A_615 = tpu.memref_slice %arg9[%dma_start3A_613, %dma_start3A_614] : memref<640x32xf32, #tpu.memory_space<vmem>> -> memref<128x32xf32, #tpu.memory_space<vmem>>
      %dma_start3A_616 = arith.constant 0 : i32
      %dma_start3A_617 = tpu.memref_slice %arg5[%add3A_612, %dma_start3A_616] : memref<200x128xi32, #tpu.memory_space<vmem>> -> memref<1x128xi32, #tpu.memory_space<vmem>>
      %dma_start3A_618 = tpu.memref_squeeze %dma_start3A_617 : memref<1x128xi32, #tpu.memory_space<vmem>> -> memref<128xi32, #tpu.memory_space<vmem>>
      %dma_start3A_619 = arith.constant 0 : i32
      %dma_start3A_620 = arith.constant 0 : i32
      %dma_start3A_621 = tpu.memref_slice %arg3[%dma_start3A_619, %dma_start3A_620] : memref<1000000x32xf32, #tpu.memory_space<hbm>> -> memref<1000000x32xf32, #tpu.memory_space<hbm>>
      tpu.enqueue_indirect_dma source(%dma_start3A_621 : memref<1000000x32xf32, #tpu.memory_space<hbm>>) target(%dma_start3A_615 : memref<128x32xf32, #tpu.memory_space<vmem>>) offsets(%dma_start3A_618 : memref<128xi32, #tpu.memory_space<vmem>>) semaphore(%arg13 : memref<!tpu.dma_semaphore, #tpu.memory_space<semaphore_mem>>)
      %mul3A_622 = arith.constant 5 : i32
      %mul3A_623 = arith.muli %add3A_563, %mul3A_622 : i32
      %add3A_624 = arith.constant 4 : i32
      %add3A_625 = arith.addi %mul3A_623, %add3A_624 : i32
      %dma_start3A_626 = arith.constant 512 : i32
      %dma_start3A_627 = arith.constant 0 : i32
      %dma_start3A_628 = tpu.memref_slice %arg9[%dma_start3A_626, %dma_start3A_627] : memref<640x32xf32, #tpu.memory_space<vmem>> -> memref<128x32xf32, #tpu.memory_space<vmem>>
      %dma_start3A_629 = arith.constant 0 : i32
      %dma_start3A_630 = tpu.memref_slice %arg5[%add3A_625, %dma_start3A_629] : memref<200x128xi32, #tpu.memory_space<vmem>> -> memref<1x128xi32, #tpu.memory_space<vmem>>
      %dma_start3A_631 = tpu.memref_squeeze %dma_start3A_630 : memref<1x128xi32, #tpu.memory_space<vmem>> -> memref<128xi32, #tpu.memory_space<vmem>>
      %dma_start3A_632 = arith.constant 0 : i32
      %dma_start3A_633 = arith.constant 0 : i32
      %dma_start3A_634 = tpu.memref_slice %arg3[%dma_start3A_632, %dma_start3A_633] : memref<1000000x32xf32, #tpu.memory_space<hbm>> -> memref<1000000x32xf32, #tpu.memory_space<hbm>>
      tpu.enqueue_indirect_dma source(%dma_start3A_634 : memref<1000000x32xf32, #tpu.memory_space<hbm>>) target(%dma_start3A_628 : memref<128x32xf32, #tpu.memory_space<vmem>>) offsets(%dma_start3A_631 : memref<128xi32, #tpu.memory_space<vmem>>) semaphore(%arg13 : memref<!tpu.dma_semaphore, #tpu.memory_space<semaphore_mem>>)
      %dma_wait3A_635 = arith.constant 0 : i32
      %dma_wait3A_636 = arith.constant 0 : i32
      %dma_wait3A_637 = tpu.memref_slice %arg3[%dma_wait3A_635, %dma_wait3A_636] : memref<1000000x32xf32, #tpu.memory_space<hbm>> -> memref<640x32xf32, #tpu.memory_space<hbm>>
      %dma_wait3A_638 = arith.constant 0 : i32
      %dma_wait3A_639 = arith.constant 0 : i32
      %dma_wait3A_640 = tpu.memref_slice %arg3[%dma_wait3A_638, %dma_wait3A_639] : memref<1000000x32xf32, #tpu.memory_space<hbm>> -> memref<640x32xf32, #tpu.memory_space<hbm>>
      tpu.wait_dma2 semaphore(%arg11 : memref<!tpu.dma_semaphore, #tpu.memory_space<semaphore_mem>>) src(%dma_wait3A_640 : memref<640x32xf32, #tpu.memory_space<hbm>>) dst(%arg7 : memref<640x32xf32, #tpu.memory_space<vmem>>)
      %mul3A_641 = arith.constant 5 : i32
      %mul3A_642 = arith.muli %add3A_561, %mul3A_641 : i32
      %add3A_643 = arith.addi %mul3A_2, %mul3A_642 : i32
      %mul3A_644 = arith.constant 128 : i32
      %mul3A_645 = arith.muli %add3A_643, %mul3A_644 : i32
      %dma_start3A_646 = arith.constant 0 : i32
      %dma_start3A_647 = tpu.memref_slice %arg4[%mul3A_645, %dma_start3A_646] : memref<819200x32xf32, #tpu.memory_space<hbm>> -> memref<640x32xf32, #tpu.memory_space<hbm>>
      %dma_start3A_648 = arith.constant 0 : i32
      %dma_start3A_649 = tpu.memref_slice %arg4[%mul3A_645, %dma_start3A_648] : memref<819200x32xf32, #tpu.memory_space<hbm>> -> memref<640x32xf32, #tpu.memory_space<hbm>>
      tpu.enqueue_dma source(%arg7 : memref<640x32xf32, #tpu.memory_space<vmem>>) target(%dma_start3A_649 : memref<640x32xf32, #tpu.memory_space<hbm>>) target_semaphore(%arg15 : memref<!tpu.dma_semaphore, #tpu.memory_space<semaphore_mem>>)
    }
    %scan3A_232 = arith.constant 9 : i32
    %dma_wait3A_233 = arith.constant 0 : i32
    %dma_wait3A_234 = arith.constant 0 : i32
    %dma_wait3A_235 = tpu.memref_slice %arg3[%dma_wait3A_233, %dma_wait3A_234] : memref<1000000x32xf32, #tpu.memory_space<hbm>> -> memref<640x32xf32, #tpu.memory_space<hbm>>
    %dma_wait3A_236 = arith.constant 0 : i32
    %dma_wait3A_237 = arith.constant 0 : i32
    %dma_wait3A_238 = tpu.memref_slice %arg3[%dma_wait3A_236, %dma_wait3A_237] : memref<1000000x32xf32, #tpu.memory_space<hbm>> -> memref<640x32xf32, #tpu.memory_space<hbm>>
    tpu.wait_dma2 semaphore(%arg12 : memref<!tpu.dma_semaphore, #tpu.memory_space<semaphore_mem>>) src(%dma_wait3A_238 : memref<640x32xf32, #tpu.memory_space<hbm>>) dst(%arg8 : memref<640x32xf32, #tpu.memory_space<vmem>>)
    %add3A_239 = arith.constant 190 : i32
    %add3A_240 = arith.addi %mul3A_2, %add3A_239 : i32
    %mul3A_241 = arith.constant 128 : i32
    %mul3A_242 = arith.muli %add3A_240, %mul3A_241 : i32
    %dma_start3A_243 = arith.constant 0 : i32
    %dma_start3A_244 = tpu.memref_slice %arg4[%mul3A_242, %dma_start3A_243] : memref<819200x32xf32, #tpu.memory_space<hbm>> -> memref<640x32xf32, #tpu.memory_space<hbm>>
    %dma_start3A_245 = arith.constant 0 : i32
    %dma_start3A_246 = tpu.memref_slice %arg4[%mul3A_242, %dma_start3A_245] : memref<819200x32xf32, #tpu.memory_space<hbm>> -> memref<640x32xf32, #tpu.memory_space<hbm>>
    tpu.enqueue_dma source(%arg8 : memref<640x32xf32, #tpu.memory_space<vmem>>) target(%dma_start3A_246 : memref<640x32xf32, #tpu.memory_space<hbm>>) target_semaphore(%arg16 : memref<!tpu.dma_semaphore, #tpu.memory_space<semaphore_mem>>)
    %dma_wait3A_247 = arith.constant 0 : i32
    %dma_wait3A_248 = arith.constant 0 : i32
    %dma_wait3A_249 = tpu.memref_slice %arg3[%dma_wait3A_247, %dma_wait3A_248] : memref<1000000x32xf32, #tpu.memory_space<hbm>> -> memref<640x32xf32, #tpu.memory_space<hbm>>
    %dma_wait3A_250 = arith.constant 0 : i32
    %dma_wait3A_251 = arith.constant 0 : i32
    %dma_wait3A_252 = tpu.memref_slice %arg3[%dma_wait3A_250, %dma_wait3A_251] : memref<1000000x32xf32, #tpu.memory_space<hbm>> -> memref<640x32xf32, #tpu.memory_space<hbm>>
    tpu.wait_dma2 semaphore(%arg13 : memref<!tpu.dma_semaphore, #tpu.memory_space<semaphore_mem>>) src(%dma_wait3A_252 : memref<640x32xf32, #tpu.memory_space<hbm>>) dst(%arg9 : memref<640x32xf32, #tpu.memory_space<vmem>>)
    %add3A_253 = arith.constant 195 : i32
    %add3A_254 = arith.addi %mul3A_2, %add3A_253 : i32
    %mul3A_255 = arith.constant 128 : i32
    %mul3A_256 = arith.muli %add3A_254, %mul3A_255 : i32
    %dma_start3A_257 = arith.constant 0 : i32
    %dma_start3A_258 = tpu.memref_slice %arg4[%mul3A_256, %dma_start3A_257] : memref<819200x32xf32, #tpu.memory_space<hbm>> -> memref<640x32xf32, #tpu.memory_space<hbm>>
    %dma_start3A_259 = arith.constant 0 : i32
    %dma_start3A_260 = tpu.memref_slice %arg4[%mul3A_256, %dma_start3A_259] : memref<819200x32xf32, #tpu.memory_space<hbm>> -> memref<640x32xf32, #tpu.memory_space<hbm>>
    tpu.enqueue_dma source(%arg9 : memref<640x32xf32, #tpu.memory_space<vmem>>) target(%dma_start3A_260 : memref<640x32xf32, #tpu.memory_space<hbm>>) target_semaphore(%arg17 : memref<!tpu.dma_semaphore, #tpu.memory_space<semaphore_mem>>)
    %dma_wait3A_261 = arith.constant 0 : i32
    %dma_wait3A_262 = arith.constant 0 : i32
    %dma_wait3A_263 = tpu.memref_slice %arg4[%dma_wait3A_261, %dma_wait3A_262] : memref<819200x32xf32, #tpu.memory_space<hbm>> -> memref<640x32xf32, #tpu.memory_space<hbm>>
    %dma_wait3A_264 = arith.constant 0 : i32
    %dma_wait3A_265 = arith.constant 0 : i32
    %dma_wait3A_266 = tpu.memref_slice %arg4[%dma_wait3A_264, %dma_wait3A_265] : memref<819200x32xf32, #tpu.memory_space<hbm>> -> memref<640x32xf32, #tpu.memory_space<hbm>>
    tpu.wait_dma2 semaphore(%arg14 : memref<!tpu.dma_semaphore, #tpu.memory_space<semaphore_mem>>) src(%arg6 : memref<640x32xf32, #tpu.memory_space<vmem>>) dst(%dma_wait3A_266 : memref<640x32xf32, #tpu.memory_space<hbm>>)
    %dma_wait3A_267 = arith.constant 0 : i32
    %dma_wait3A_268 = arith.constant 0 : i32
    %dma_wait3A_269 = tpu.memref_slice %arg4[%dma_wait3A_267, %dma_wait3A_268] : memref<819200x32xf32, #tpu.memory_space<hbm>> -> memref<640x32xf32, #tpu.memory_space<hbm>>
    %dma_wait3A_270 = arith.constant 0 : i32
    %dma_wait3A_271 = arith.constant 0 : i32
    %dma_wait3A_272 = tpu.memref_slice %arg4[%dma_wait3A_270, %dma_wait3A_271] : memref<819200x32xf32, #tpu.memory_space<hbm>> -> memref<640x32xf32, #tpu.memory_space<hbm>>
    tpu.wait_dma2 semaphore(%arg15 : memref<!tpu.dma_semaphore, #tpu.memory_space<semaphore_mem>>) src(%arg7 : memref<640x32xf32, #tpu.memory_space<vmem>>) dst(%dma_wait3A_272 : memref<640x32xf32, #tpu.memory_space<hbm>>)
    %dma_wait3A_273 = arith.constant 0 : i32
    %dma_wait3A_274 = arith.constant 0 : i32
    %dma_wait3A_275 = tpu.memref_slice %arg4[%dma_wait3A_273, %dma_wait3A_274] : memref<819200x32xf32, #tpu.memory_space<hbm>> -> memref<640x32xf32, #tpu.memory_space<hbm>>
    %dma_wait3A_276 = arith.constant 0 : i32
    %dma_wait3A_277 = arith.constant 0 : i32
    %dma_wait3A_278 = tpu.memref_slice %arg4[%dma_wait3A_276, %dma_wait3A_277] : memref<819200x32xf32, #tpu.memory_space<hbm>> -> memref<640x32xf32, #tpu.memory_space<hbm>>
    tpu.wait_dma2 semaphore(%arg16 : memref<!tpu.dma_semaphore, #tpu.memory_space<semaphore_mem>>) src(%arg8 : memref<640x32xf32, #tpu.memory_space<vmem>>) dst(%dma_wait3A_278 : memref<640x32xf32, #tpu.memory_space<hbm>>)
    %dma_wait3A_279 = arith.constant 0 : i32
    %dma_wait3A_280 = arith.constant 0 : i32
    %dma_wait3A_281 = tpu.memref_slice %arg4[%dma_wait3A_279, %dma_wait3A_280] : memref<819200x32xf32, #tpu.memory_space<hbm>> -> memref<640x32xf32, #tpu.memory_space<hbm>>
    %dma_wait3A_282 = arith.constant 0 : i32
    %dma_wait3A_283 = arith.constant 0 : i32
    %dma_wait3A_284 = tpu.memref_slice %arg4[%dma_wait3A_282, %dma_wait3A_283] : memref<819200x32xf32, #tpu.memory_space<hbm>> -> memref<640x32xf32, #tpu.memory_space<hbm>>
    tpu.wait_dma2 semaphore(%arg17 : memref<!tpu.dma_semaphore, #tpu.memory_space<semaphore_mem>>) src(%arg9 : memref<640x32xf32, #tpu.memory_space<vmem>>) dst(%dma_wait3A_284 : memref<640x32xf32, #tpu.memory_space<hbm>>)
    return
  }
}

</mosaic_0001>

<sc_bundles>
// kernel: kernel.3.cloned.1.call-start
scs
__scs_entry_jumppad:
0x0: {  	(pc) =	sbr.rel $0x88, $3  }
0x1: {  	(tag) =	ssettag $0x0;
	lr =	simm.s32 $0x1  }
0x2: {  	[smem:$0x3F9F] =	sst lr;
	_ =	strace $0xD0000000  }
0x3: {  	_ = 	snop  }
0x4: {  	_ = 	snop  }
0x5: {  	_ = 	snop  }
0x6: {  	_ = 	snop  }
0x7: {  	_ = 	snop  }
__scs_overlays_trampoline_lowered:
0x8: {  	[smem:$0x3FAE] =	sst s0  }
0x9: {  	[smem:$0x3FAF] =	sst s1  }
0xa: {  	[smem:$0x3FB0] =	sst s2  }
0xb: {  	[smem:$0x3FB1] =	sst s3  }
0xc: {  	[smem:$0x3FB2] =	sst s4  }
0xd: {  	[smem:$0x3FB3] =	sst s5  }
0xe: {  	[smem:$0x3FB4] =	sst s6  }
0xf: {  	[smem:$0x3FB5] =	sst s7  }
0x10: {  	[smem:$0x3FB6] =	sst s8  }
0x11: {  	[smem:$0x3FB7] =	sst s9;
	s0 =	simm.s32 @!p0 $0x0  }
0x12: {  	s1 =	sld [smem:$0x3F9D];
	s0 =	simm.s32 @p0 $0x1  }
0x13: {  	[smem:$0x3FB8] =	sst s0;
	s0 =	simm.s32 @!p1 $0x0  }
0x14: {  	s2 =	sld [smem:$0x3F9C];
	s0 =	simm.s32 @p1 $0x1  }
0x15: {  	[smem:$0x3FB9] =	sst s0;
	s0 =	simm.s32 @!p2 $0x0  }
0x16: {  	s3 =	sld [smem:$0x3FDB];
	s0 =	simm.s32 @p2 $0x1  }
0x17: {  	s4 =	simm.s32 $0x1BF5;
	[smem:$0x3FBB] =	sst s0  }
0x18: {  	s0 =	sld [smem:$0x3F9E];
	_ =	swait.ge [sflag:s4], $0x0  }
0x19: {  	s7 =	sld [smem:$0x3F9F]  }
0x1a: {  	s8 =	sadd.s32 $0xFFFFE003, lr  }
0x1b: {  	s9 =	sadd.s32 $0xFFFFFEF7, lr;
	s5 =	simm.s32 $0xFFFFFFFF;
	p2 =	slt.u32 s8, $0xFFFFF086  }
0x1c: {  	p1 =	slt.u32 s9, $0xF7A;
	s5 =	simm.s32 @!p2 $0x0  }
0x1d: {  	s5 =	simm.s32 @p1 $0x1;
	p0 =	seq.s32 s7, s2  }
0x1e: {  	s7 =	smul.u32 @!p0 $0xF7A, s2;
	p2 =	seq.s32 @!p0 s5, $0x0  }
0x1f: {  	s9 =	smul.u32 $0xF7A, s1;
	s8 =	simm.s32 @!p0 $0x1BF5;
	p2 =	por !p2, p0  }
0x20: {  	[sflag:s8] =	ssyncset.s32 @!p0 $0xFFFFF086;
	s6 =	sadd.s32 @!p0 s3, s7;
	s7 =	simm.s32 @!p0 $0x108  }
0x21: {  	s3 =	sadd.s32 s3, s9;
	s6 =	sadd.s32 @!p0 $0x88, s6;
	s7 =	simm.s32 @p2 $0x1082  }
0x22: {  	[simem:s7], [sflag:s8] =	dma.local @!p0 [hbm:s6], $0xF7A  }
0x23: {  	s9 =	sor.u32 $0xD0000000, s2;
	s6 =	simm.s32 $0x108;
	_ =	swait.ge @!p0 [sflag:s8], $0x0  }
0x24: {  	s3 =	sadd.s32 $0x88, s3;
	s6 =	simm.s32 @!p1 $0x1082;
	[sflag:s4] =	ssyncset.s32 $0xFFFFF086  }
0x25: {  	[simem:s6], [sflag:s4] =	dma.local [hbm:s3], $0xF7A  }
0x26: {  	[smem:$0x3F9F] =	sst s1;
	(tag) =	ssettag s2;
	_ =	strace s9  }
0x27: {  	s1 =	sld [smem:$0x3FAF]  }
0x28: {  	s2 =	sld [smem:$0x3FB0]  }
0x29: {  	s4 =	sld [smem:$0x3FB2]  }
0x2a: {  	p0 =	seq.s32 s5, $0x0;
	s5 =	sld [smem:$0x3FB3]  }
0x2b: {  	s6 =	sld [smem:$0x3FB4]  }
0x2c: {  	s7 =	sld [smem:$0x3FB5]  }
0x2d: {  	s3 =	simm.s32 $0x108;
	s8 =	sld [smem:$0x3FB6]  }
0x2e: {  	s3 =	simm.s32 @!p0 $0x1082;
	s9 =	sld [smem:$0x3FB7]  }
0x2f: {  	lr =	sadd.s32 s0, s3;
	s0 =	sld [smem:$0x3FAE]  }
0x30: {  	s3 =	sld [smem:$0x3FB1]  }
0x31: {  	[smem:$0x3FBA] =	sst s10  }
0x32: {  	s10 =	sld [smem:$0x3FB8];
	_ =	sdelay $0x3  }
0x33: {  	p0 =	seq.s32 s10, $0x1;
	s10 =	sld [smem:$0x3FBA];
	_ =	sdelay $0x3  }
0x34: {  	[smem:$0x3FBA] =	sst s10  }
0x35: {  	s10 =	sld [smem:$0x3FB9];
	_ =	sdelay $0x3  }
0x36: {  	p1 =	seq.s32 s10, $0x1;
	s10 =	sld [smem:$0x3FBA];
	_ =	sdelay $0x3  }
0x37: {  	[smem:$0x3FBA] =	sst s10  }
0x38: {  	s10 =	sld [smem:$0x3FBB]  }
0x39: {  	_ = 	snop;
	(pc) =	sbr.ind lr, $3  }
0x3a: {  	_ = 	snop  }
0x3b: {  	_ = 	snop  }
0x3c: {  	p2 =	seq.s32 s10, $0x1;
	s10 =	sld [smem:$0x3FBA]  }
0x3d: {  	_ =	shalt  }
0x3e: {  	_ =	shalt  }
0x3f: {  	_ =	shalt  }
0x40: {  	_ =	shalt  }
0x41: {  	_ =	shalt  }
0x42: {  	_ =	shalt  }
0x43: {  	_ =	shalt  }
0x44: {  	_ =	shalt  }
0x45: {  	_ =	shalt  }
0x46: {  	_ =	shalt  }
0x47: {  	_ =	shalt  }
0x48: {  	_ =	shalt  }
0x49: {  	_ =	shalt  }
0x4a: {  	_ =	shalt  }
0x4b: {  	_ =	shalt  }
0x4c: {  	_ =	shalt  }
0x4d: {  	_ =	shalt  }
0x4e: {  	_ =	shalt  }
0x4f: {  	_ =	shalt  }
0x50: {  	_ =	shalt  }
0x51: {  	_ =	shalt  }
0x52: {  	_ =	shalt  }
0x53: {  	_ =	shalt  }
0x54: {  	_ =	shalt  }
0x55: {  	_ =	shalt  }
0x56: {  	_ =	shalt  }
0x57: {  	_ =	shalt  }
0x58: {  	_ =	shalt  }
0x59: {  	_ =	shalt  }
0x5a: {  	_ =	shalt  }
0x5b: {  	_ =	shalt  }
0x5c: {  	_ =	shalt  }
0x5d: {  	_ =	shalt  }
0x5e: {  	_ =	shalt  }
0x5f: {  	_ =	shalt  }
0x60: {  	_ =	shalt  }
0x61: {  	_ =	shalt  }
0x62: {  	_ =	shalt  }
0x63: {  	_ =	shalt  }
0x64: {  	_ =	shalt  }
0x65: {  	_ =	shalt  }
0x66: {  	_ =	shalt  }
0x67: {  	_ =	shalt  }
0x68: {  	_ =	shalt  }
0x69: {  	_ =	shalt  }
0x6a: {  	_ =	shalt  }
0x6b: {  	_ =	shalt  }
0x6c: {  	_ =	shalt  }
0x6d: {  	_ =	shalt  }
0x6e: {  	_ =	shalt  }
0x6f: {  	_ =	shalt  }
0x70: {  	_ =	shalt  }
0x71: {  	_ =	shalt  }
0x72: {  	_ =	shalt  }
0x73: {  	_ =	shalt  }
0x74: {  	_ =	shalt  }
0x75: {  	_ =	shalt  }
0x76: {  	_ =	shalt  }
0x77: {  	_ =	shalt  }
0x78: {  	_ =	shalt  }
0x79: {  	_ =	shalt  }
0x7a: {  	_ =	shalt  }
0x7b: {  	_ =	shalt  }
0x7c: {  	_ =	shalt  }
0x7d: {  	_ =	shalt  }
0x7e: {  	_ =	shalt  }
0x7f: {  	_ =	shalt  }
0x80: {  	_ =	shalt  }
0x81: {  	_ =	shalt  }
0x82: {  	_ =	shalt  }
0x83: {  	_ =	shalt  }
0x84: {  	_ =	shalt  }
0x85: {  	_ =	shalt  }
0x86: {  	_ =	shalt  }
0x87: {  	_ =	shalt  }
.Lfunc_end0:
.L_simem_size_0:
called_computation.1_lowered:
.L_overlay_start_0:
0x88: {  	s2 =	sld [smem:$0x3FD9]  }
0x89: {  	s3 =	sld [smem:$0x3FFE];
	_ =	sdelay $0x1  }
0x8a: {  	s1 =	srdreg.scid  }
0x8b: {  	s0 =	sand.u32 $0x1, s1  }
0x8c: {  	s17 =	sshll.u32 s0, $0xA;
	s2 =	sadd.s32 s3, s2  }
0x8d: {  	s2 =	sadd.s32 s2, s17  }
0x8e: {  	[smem:$0x3FC6] =	sst s2  }
0x8f: {  	_ = 	snop  }
0x90: {  	s2 =	sld [smem:$0x3FD0];
	(tm) =	ssettm $0x1  }
0x91: {  	s18 =	sld [smem:$0x3FFB];
	_ =	sdelay $0x3  }
0x92: {  	_ =	strace s18  }
0x93: {  	s3 =	sld [smem:$0x3FFC];
	_ =	sdelay $0x3  }
0x94: {  	_ =	strace s3  }
0x95: {  	s3 =	sld [smem:$0x3FFD];
	_ =	sdelay $0x3  }
0x96: {  	_ =	strace s3  }
0x97: {  	_ =	strace $0x8FFFFFFF  }
0x98: {  	s19 =	sld [smem:$0x3FDB];
	_ =	sdelay $0x1  }
0x99: {  	s4 =	simm.s32 $_scs_section_size  }
0x9a: {  	s5 =	simm.s32 $_size__tile_overlayer_lowered;
	s6 =	simm.s32 $_tile_overlayer_lowered  }
0x9b: {  	s22 =	simm.s32 $0x1BFF;
	s21 =	sshll.u32 s6, $0x1;
	s3 =	sadd.s32 s4, s19  }
0x9c: {  	s7 =	simm.s32 $0x0;
	s20 =	sshll.u32 s5, $0x1;
	s5 =	sadd.s32 s21, s3  }
0x9d: {  	[timem:s7], [sflag:s22] =	dma.local [hbm:s5], s20  }
0x9e: {  	_ =	swait.ge [sflag:s22], s20  }
0x9f: {  	s4 =	ssub.s32 $0x0, s20;
	[sflag:s22] =	ssyncset.done $0x0  }
0xa0: {  	[sflag:s22] =	ssyncadd.s32 s4;
	_ =	sdelay $0x1  }
0xa1: {  	s23 =	simm.s32 $0x1B8B  }
0xa2: {  	_ =	swait.ge [sflag:s23], $0x1  }
0xa3: {  	[sflag:s23] =	ssyncset.done $0x0  }
0xa4: {  	s25 =	simm.s32 $0x1B8E;
	s24 =	sld [smem:$0x3FFE];
	[sflag:s23] =	ssyncadd.s32 $0xFFFFFFFF  }
0xa5: {  	s26 =	simm.s32 $execute0_lowered;
	[smem:$0x3FD2] =	sst s25  }
0xa6: {  	s5 =	sshll.u32 s26, $0x1;
	_ =	strace $0x80000046;
	[dreg:$0x1] =	wrdreg $0xFFFFFFFF  }
0xa7: {  	s28 =	simm.s32 $_size_execute0_lowered;
	s3 =	sadd.s32 s3, s5;
	[dreg:$0x0] =	wrdreg $0x0  }
0xa8: {  	s5 =	sshll.u32 s28, $0x1;
	[dreg:$0x2] =	wrdreg s3  }
0xa9: {  	[dreg:$0x3] =	wrdreg s5  }
0xaa: {  	[dreg:$0x4] =	wrdreg $0xC0  }
0xab: {  	_ =	task [dreg:s7], $0x5FFFF  }
0xac: {  	[dreg:$0x1] =	wrdreg $0xFFFFFFFF  }
0xad: {  	[dreg:$0x0] =	wrdreg $0x60  }
0xae: {  	[dreg:$0x2] =	wrdreg s24  }
0xaf: {  	[dreg:$0x3] =	wrdreg s2  }
0xb0: {  	[dreg:$0x4] =	wrdreg $0x9  }
0xb1: {  	_ =	task.clear_ibuf [dreg:s7], $0x5FFFF;
	_ =	strace $0x90000046  }
0xb2: {  	s29 =	simm.s32 $0x9;
	_ =	strace $0x80000048  }
0xb3: {  	_ =	swait.ge [sflag:s29], $0x1  }
0xb4: {  	[sflag:s29] =	ssyncadd.s32 $0xFFFFFFFF  }
0xb5: {  	_ =	strace $0x90000048  }
0xb6: {  	_ =	sfence  }
0xb7: {  	s30 =	sld [smem:$0x0];
	_ =	sdelay $0x2  }
0xb8: {  	s31 =	sshll.u32 s1, $0xD;
	s1 =	sshrl.u32 s1, $0x2  }
0xb9: {  	s3 =	sand.u32 $0x4000, s31;
	s1 =	sadd.s32 s1, s30  }
0xba: {  	s0 =	sor.u32 s3, s0;
	s1 =	sshll.u32 s1, $0x11  }
0xbb: {  	s0 =	sor.u32 s1, s0  }
0xbc: {  	s0 =	sadd.s32 $0x8F2B, s0  }
0xbd: {  	[sflag:s0] =	ssyncadd.remote.s32 $0x1  }
0xbe: {  	_ =	sfence.sel $0xFFFF  }
0xbf: {  	[dreg:$0x0] =	wrdreg $0xFFFFFFFF;
	(pc) =	sbr.abs _section_cstart, $3  }
0xc0: {  	[dreg:$0x1] =	wrdreg $0xFFFFFFFF  }
0xc1: {  	_ =	task.clear_ibuf [dreg:s7], $0x2FFFF;
	_ =	strace $0x9FFFFFFF  }
0xc2: {  	(tm) =	ssettm $0x7FFFFFFF  }
0xc3: {  	_ =	shalt  }
tec
execute0_lowered:
.L_overlay_start_1:
0x0: {  	(tag) =	ssettag $0x1  }
0x1: {  	s0 =	srdreg.scid  }
0x2: {  	s6 =	stileid.u32;
	s1 =	rddreg [dreg:$0x0]  }
0x3: {  	s4 =	rddreg [dreg:$0x1];
	s11 =	simm.s32 $0x80;
	s31 =	simm.s32 $0x6400  }
0x4: {  	s15 =	simm.s32 $0x7400;
	s14 =	simm.s32 $0xC400;
	s16 =	simm.s32 $0x14400  }
0x5: {  	s29 =	simm.s32 $0x1;
	s28 =	simm.s32 $0x16400;
	s30 =	simm.s32 $0x17400  }
0x6: {  	s0 =	sand.u32 $0x1, s0;
	s2 =	sshll.u32 s6, $0x1;
	s6 =	smul.u32 $0x190, s6  }
0x7: {  	s12 =	simm.s32 $0x18400;
	s5 =	sor.u32 s0, s2;
	s7 =	smul.u32 $0xC8, s0  }
0x8: {  	s10 =	simm.s32 $0x8;
	s13 =	simm.s32 $0x0;
	s3 =	smul.u32 $0xC80, s5  }
0x9: {  	s2 =	simm.s32 $0x0;
	s0 =	ssub.s32 $0x2, s0;
	s9 =	smul.u32 $0x19000, s5  }
0xa: {  	[smem:$0x7FF] =	sst s2;
	s17 =	sshrl.u32 s0, $0x1;
	s18 =	smul.u32 $0xC8000, s5  }
0xb: {  	_ =	strace $0x80000047;
	s6 =	sadd.s32 s7, s6;
	s0 =	ssub.s32 s0, s17  }
0xc: {  	s17 =	simm.s32 $0x8400;
	s7 =	simm.s32 $0x3;
	[dreg:$0xd] =	wrdreg s13  }
0xd: {  	s8 =	sadd.s32 s3, s1;
	s3 =	sadd.s32 $0xF42E00, s1;
	s19 =	sshll.u32 s6, $0x9  }
0xe: {  	s21 =	sadd.s32 s4, s9;
	s1 =	sshrl.u32 s18, $0x3;
	s0 =	smax.u32 s0, $0x1  }
0xf: {  	s18 =	simm.s32 $0xD400;
	s9 =	simm.s32 $0x7;
	[dreg:$0x8] =	wrdreg s21  }
0x10: {  	s20 =	sadd.s32 $0xA00, s8;
	s5 =	sadd.s32 s4, s19;
	[dreg:$0xc] =	wrdreg s0  }
0x11: {  	s6 =	sadd.s32 $0xA00, s21;
	s1 =	sadd.s32 s4, s1;
	[dreg:$0x7] =	wrdreg s20  }
0x12: {  	s19 =	simm.s32 $0x9400;
	[dreg:$0x9] =	wrdreg s6;
	s22 =	sadd.s32 $0x1E00, s5  }
0x13: {  	s21 =	simm.s32 $0xB400;
	s24 =	sadd.s32 $0x17C00, s1;
	[dreg:$0x3] =	wrdreg s22  }
0x14: {  	s0 =	simm.s32 $0x15400;
	s23 =	sadd.s32 $0x1400, s5;
	[dreg:$0xa] =	wrdreg s24  }
0x15: {  	s4 =	simm.s32 $0x2;
	s1 =	sadd.s32 $0x18600, s1;
	[dreg:$0x4] =	wrdreg s23  }
0x16: {  	s8 =	simm.s32 $0x6;
	s25 =	sadd.s32 $0x3200, s5;
	[dreg:$0xb] =	wrdreg s1  }
0x17: {  	s26 =	sadd.s32 $0x2800, s5;
	s20 =	simm.s32 $0x11400;
	[dreg:$0x5] =	wrdreg s25  }
0x18: {  	s6 =	simm.s32 $0x5;
	s5 =	simm.s32 $0x4;
	[dreg:$0x6] =	wrdreg s26  }
0x19: {  	s23 =	simm.s32 $0xA400;
	s22 =	simm.s32 $0xE400;
	s25 =	simm.s32 $0xF400  }
0x1a: {  	s1 =	simm.s32 $0x10400;
	s26 =	simm.s32 $0x12400;
	s24 =	simm.s32 $0x13400  }
.LBB2_1:
0x1b: {  	s13 =	rddreg [dreg:$0x7]  }
0x1c: {  	[tilespmem:s2], [sflag:$0x9] =	stream.linear.gather [hbm4b:s13+s2], $0x6400, $0x38;
	[tilespmem:$0x1A400] =	vst v63  }
0x1d: {  	s13 =	simm.s32 $0x9  }
0x1e: {  	_ =	swait.ge [sflag:s13], $0x6400  }
0x1f: {  	[sflag:s13] =	ssyncset.done $0x0  }
0x20: {  	[sflag:s13] =	ssyncadd.s32 $0xFFFF9C00  }
0x21: {  	[tilespmem:s31], [sflag:$0x1] =	stream.indirect.gather [hbm4b:s3+s11], $0x20, s2, s11, $0xb8;
	[tilespmem:$0x1A400] =	vst v63  }
0x22: {  	_ = 	snop  }
0x23: {  	[tilespmem:s15], [sflag:$0x1] =	stream.indirect.gather [hbm4b:s3+s11], $0x20, s11, s11, $0xb8;
	[tilespmem:$0x1A400] =	vst v63  }
0x24: {  	s13 =	simm.s32 $0x100  }
0x25: {  	[tilespmem:s17], [sflag:$0x1] =	stream.indirect.gather [hbm4b:s3+s11], $0x20, s13, s11, $0xb8;
	[tilespmem:$0x1A400] =	vst v63  }
0x26: {  	s13 =	simm.s32 $0x180  }
0x27: {  	[tilespmem:s19], [sflag:$0x1] =	stream.indirect.gather [hbm4b:s3+s11], $0x20, s13, s11, $0xb8;
	[tilespmem:$0x1A400] =	vst v63  }
0x28: {  	s13 =	simm.s32 $0x200  }
0x29: {  	[tilespmem:s23], [sflag:$0x1] =	stream.indirect.gather [hbm4b:s3+s11], $0x20, s13, s11, $0xb8;
	[tilespmem:$0x1A400] =	vst v63  }
0x2a: {  	s13 =	simm.s32 $0x280  }
0x2b: {  	[tilespmem:s21], [sflag:$0x2] =	stream.indirect.gather [hbm4b:s3+s11], $0x20, s13, s11, $0xb8;
	[tilespmem:$0x1A400] =	vst v63  }
0x2c: {  	s13 =	simm.s32 $0x300  }
0x2d: {  	[tilespmem:s14], [sflag:$0x2] =	stream.indirect.gather [hbm4b:s3+s11], $0x20, s13, s11, $0xb8;
	[tilespmem:$0x1A400] =	vst v63  }
0x2e: {  	s13 =	simm.s32 $0x380  }
0x2f: {  	[tilespmem:s18], [sflag:$0x2] =	stream.indirect.gather [hbm4b:s3+s11], $0x20, s13, s11, $0xb8;
	[tilespmem:$0x1A400] =	vst v63  }
0x30: {  	s13 =	simm.s32 $0x400  }
0x31: {  	[tilespmem:s22], [sflag:$0x2] =	stream.indirect.gather [hbm4b:s3+s11], $0x20, s13, s11, $0xb8;
	[tilespmem:$0x1A400] =	vst v63  }
0x32: {  	s13 =	simm.s32 $0x480  }
0x33: {  	[tilespmem:s25], [sflag:$0x2] =	stream.indirect.gather [hbm4b:s3+s11], $0x20, s13, s11, $0xb8;
	[tilespmem:$0x1A400] =	vst v63  }
0x34: {  	s13 =	simm.s32 $0x500  }
0x35: {  	[tilespmem:s1], [sflag:$0x3] =	stream.indirect.gather [hbm4b:s3+s11], $0x20, s13, s11, $0xb8;
	[tilespmem:$0x1A400] =	vst v63  }
0x36: {  	s13 =	simm.s32 $0x580  }
0x37: {  	[tilespmem:s20], [sflag:$0x3] =	stream.indirect.gather [hbm4b:s3+s11], $0x20, s13, s11, $0xb8;
	[tilespmem:$0x1A400] =	vst v63  }
0x38: {  	s13 =	simm.s32 $0x600  }
0x39: {  	[tilespmem:s26], [sflag:$0x3] =	stream.indirect.gather [hbm4b:s3+s11], $0x20, s13, s11, $0xb8;
	[tilespmem:$0x1A400] =	vst v63  }
0x3a: {  	s13 =	simm.s32 $0x680  }
0x3b: {  	[tilespmem:s24], [sflag:$0x3] =	stream.indirect.gather [hbm4b:s3+s11], $0x20, s13, s11, $0xb8;
	[tilespmem:$0x1A400] =	vst v63  }
0x3c: {  	s13 =	simm.s32 $0x700  }
0x3d: {  	[tilespmem:s16], [sflag:$0x3] =	stream.indirect.gather [hbm4b:s3+s11], $0x20, s13, s11, $0xb8;
	[tilespmem:$0x1A400] =	vst v63  }
0x3e: {  	_ =	swait.ge [sflag:s29], $0x5000  }
0x3f: {  	[sflag:s29] =	ssyncset.done $0x0  }
0x40: {  	s13 =	rddreg [dreg:$0x8];
	[sflag:s29] =	ssyncadd.s32 $0xFFFFB000  }
0x41: {  	[hbm4b:s13+s2] =	stream.linear.scatter [tilespmem:s31], [sflag:$0x5], $0x5000, $0x38;
	[tilespmem:$0x1A400] =	vst v63  }
0x42: {  	s13 =	simm.s32 $0x780  }
0x43: {  	[tilespmem:s0], [sflag:$0x4] =	stream.indirect.gather [hbm4b:s3+s11], $0x20, s13, s11, $0xb8;
	[tilespmem:$0x1A400] =	vst v63  }
0x44: {  	s13 =	simm.s32 $0x800  }
0x45: {  	[tilespmem:s28], [sflag:$0x4] =	stream.indirect.gather [hbm4b:s3+s11], $0x20, s13, s11, $0xb8;
	[tilespmem:$0x1A400] =	vst v63  }
0x46: {  	s13 =	simm.s32 $0x880  }
0x47: {  	[tilespmem:s30], [sflag:$0x4] =	stream.indirect.gather [hbm4b:s3+s11], $0x20, s13, s11, $0xb8;
	[tilespmem:$0x1A400] =	vst v63  }
0x48: {  	s13 =	simm.s32 $0x900  }
0x49: {  	[tilespmem:s12], [sflag:$0x4] =	stream.indirect.gather [hbm4b:s3+s11], $0x20, s13, s11, $0xb8;
	[tilespmem:$0x1A400] =	vst v63  }
0x4a: {  	s12 =	simm.s32 $0x19400;
	s13 =	simm.s32 $0x980  }
0x4b: {  	[tilespmem:s12], [sflag:$0x4] =	stream.indirect.gather [hbm4b:s3+s11], $0x20, s13, s11, $0xb8;
	[tilespmem:$0x1A400] =	vst v63  }
0x4c: {  	_ =	swait.ge [sflag:s4], $0x5000  }
0x4d: {  	[sflag:s4] =	ssyncset.done $0x0  }
0x4e: {  	s13 =	rddreg [dreg:$0x9];
	[sflag:s4] =	ssyncadd.s32 $0xFFFFB000  }
0x4f: {  	[hbm4b:s13+s2] =	stream.linear.scatter [tilespmem:s21], [sflag:$0x6], $0x5000, $0x38;
	[tilespmem:$0x1A400] =	vst v63  }
0x50: {  	_ =	swait.ge [sflag:s6], $0x5000  }
0x51: {  	[sflag:s6] =	ssyncset.done $0x0  }
0x52: {  	s13 =	simm.s32 $0xA00;
	[sflag:s6] =	ssyncadd.s32 $0xFFFFB000  }
0x53: {  	[tilespmem:s31], [sflag:$0x1] =	stream.indirect.gather [hbm4b:s3+s11], $0x20, s13, s11, $0xb8;
	[tilespmem:$0x1A400] =	vst v63  }
0x54: {  	s13 =	simm.s32 $0xA80  }
0x55: {  	[tilespmem:s15], [sflag:$0x1] =	stream.indirect.gather [hbm4b:s3+s11], $0x20, s13, s11, $0xb8;
	[tilespmem:$0x1A400] =	vst v63  }
0x56: {  	s15 =	simm.s32 $0xB00  }
0x57: {  	[tilespmem:s17], [sflag:$0x1] =	stream.indirect.gather [hbm4b:s3+s11], $0x20, s15, s11, $0xb8;
	[tilespmem:$0x1A400] =	vst v63  }
0x58: {  	s15 =	simm.s32 $0xB80  }
0x59: {  	[tilespmem:s19], [sflag:$0x1] =	stream.indirect.gather [hbm4b:s3+s11], $0x20, s15, s11, $0xb8;
	[tilespmem:$0x1A400] =	vst v63  }
0x5a: {  	s17 =	simm.s32 $0xC00  }
0x5b: {  	[tilespmem:s23], [sflag:$0x1] =	stream.indirect.gather [hbm4b:s3+s11], $0x20, s17, s11, $0xb8;
	[tilespmem:$0x1A400] =	vst v63  }
0x5c: {  	_ =	swait.ge [sflag:s7], $0x5000  }
0x5d: {  	s19 =	rddreg [dreg:$0x4];
	[sflag:s7] =	ssyncset.done $0x0  }
0x5e: {  	[sflag:s7] =	ssyncadd.s32 $0xFFFFB000;
	s13 =	sadd.s32 $0x0, s19  }
0x5f: {  	[hbm4b:s13+s2] =	stream.linear.scatter [tilespmem:s1], [sflag:$0x7], $0x5000, $0x38;
	[tilespmem:$0x1A400] =	vst v63  }
0x60: {  	_ =	swait.ge [sflag:s8], $0x5000  }
0x61: {  	[sflag:s8] =	ssyncset.done $0x0  }
0x62: {  	s23 =	simm.s32 $0xC80;
	[sflag:s8] =	ssyncadd.s32 $0xFFFFB000  }
0x63: {  	[tilespmem:s21], [sflag:$0x2] =	stream.indirect.gather [hbm4b:s3+s11], $0x20, s23, s11, $0xb8;
	[tilespmem:$0x1A400] =	vst v63  }
0x64: {  	s15 =	simm.s32 $0xD00  }
0x65: {  	[tilespmem:s14], [sflag:$0x2] =	stream.indirect.gather [hbm4b:s3+s11], $0x20, s15, s11, $0xb8;
	[tilespmem:$0x1A400] =	vst v63  }
0x66: {  	s17 =	simm.s32 $0xD80  }
0x67: {  	[tilespmem:s18], [sflag:$0x2] =	stream.indirect.gather [hbm4b:s3+s11], $0x20, s17, s11, $0xb8;
	[tilespmem:$0x1A400] =	vst v63  }
0x68: {  	s18 =	simm.s32 $0xE00  }
0x69: {  	[tilespmem:s22], [sflag:$0x2] =	stream.indirect.gather [hbm4b:s3+s11], $0x20, s18, s11, $0xb8;
	[tilespmem:$0x1A400] =	vst v63  }
0x6a: {  	s19 =	simm.s32 $0xE80  }
0x6b: {  	[tilespmem:s25], [sflag:$0x2] =	stream.indirect.gather [hbm4b:s3+s11], $0x20, s19, s11, $0xb8;
	[tilespmem:$0x1A400] =	vst v63  }
0x6c: {  	_ =	swait.ge [sflag:s5], $0x5000  }
0x6d: {  	s22 =	rddreg [dreg:$0x3];
	[sflag:s5] =	ssyncset.done $0x0  }
0x6e: {  	[sflag:s5] =	ssyncadd.s32 $0xFFFFB000;
	s13 =	sadd.s32 $0x0, s22  }
0x6f: {  	[hbm4b:s13+s2] =	stream.linear.scatter [tilespmem:s0], [sflag:$0x8], $0x5000, $0x38;
	[tilespmem:$0x1A400] =	vst v63  }
0x70: {  	_ =	swait.ge [sflag:s9], $0x5000  }
0x71: {  	[sflag:s9] =	ssyncset.done $0x0  }
0x72: {  	s23 =	simm.s32 $0xF00;
	[sflag:s9] =	ssyncadd.s32 $0xFFFFB000  }
0x73: {  	[tilespmem:s1], [sflag:$0x3] =	stream.indirect.gather [hbm4b:s3+s11], $0x20, s23, s11, $0xb8;
	[tilespmem:$0x1A400] =	vst v63  }
0x74: {  	s25 =	simm.s32 $0xF80  }
0x75: {  	[tilespmem:s20], [sflag:$0x3] =	stream.indirect.gather [hbm4b:s3+s11], $0x20, s25, s11, $0xb8;
	[tilespmem:$0x1A400] =	vst v63  }
0x76: {  	s14 =	simm.s32 $0x1000  }
0x77: {  	[tilespmem:s26], [sflag:$0x3] =	stream.indirect.gather [hbm4b:s3+s11], $0x20, s14, s11, $0xb8;
	[tilespmem:$0x1A400] =	vst v63  }
0x78: {  	s15 =	simm.s32 $0x1080  }
0x79: {  	[tilespmem:s24], [sflag:$0x3] =	stream.indirect.gather [hbm4b:s3+s11], $0x20, s15, s11, $0xb8;
	[tilespmem:$0x1A400] =	vst v63  }
0x7a: {  	s17 =	simm.s32 $0x1100  }
0x7b: {  	[tilespmem:s16], [sflag:$0x3] =	stream.indirect.gather [hbm4b:s3+s11], $0x20, s17, s11, $0xb8;
	[tilespmem:$0x1A400] =	vst v63  }
0x7c: {  	_ =	swait.ge [sflag:s29], $0x5000  }
0x7d: {  	s18 =	rddreg [dreg:$0x6];
	[sflag:s29] =	ssyncset.done $0x0  }
0x7e: {  	[sflag:s29] =	ssyncadd.s32 $0xFFFFB000;
	s13 =	sadd.s32 $0x0, s18  }
0x7f: {  	[hbm4b:s13+s2] =	stream.linear.scatter [tilespmem:s31], [sflag:$0x5], $0x5000, $0x38;
	[tilespmem:$0x1A400] =	vst v63  }
0x80: {  	_ =	swait.ge [sflag:s10], $0x5000  }
0x81: {  	s12 =	simm.s32 $0x19400;
	s19 =	simm.s32 $0x1180;
	[sflag:s10] =	ssyncset.done $0x0  }
0x82: {  	s22 =	simm.s32 $0x1280;
	s23 =	simm.s32 $0x1300;
	[sflag:s10] =	ssyncadd.s32 $0xFFFFB000  }
0x83: {  	[tilespmem:s0], [sflag:$0x4] =	stream.indirect.gather [hbm4b:s3+s11], $0x20, s19, s11, $0xb8;
	[tilespmem:$0x1A400] =	vst v63  }
0x84: {  	s20 =	simm.s32 $0x1200;
	s25 =	simm.s32 $0x1380;
	s14 =	simm.s32 $0x6400  }
0x85: {  	[tilespmem:s28], [sflag:$0x4] =	stream.indirect.gather [hbm4b:s3+s11], $0x20, s20, s11, $0xb8;
	[tilespmem:$0x1A400] =	vst v63  }
0x86: {  	s24 =	simm.s32 $0x18400;
	s16 =	simm.s32 $0x14400;
	s18 =	simm.s32 $0xD400  }
0x87: {  	[tilespmem:s30], [sflag:$0x4] =	stream.indirect.gather [hbm4b:s3+s11], $0x20, s22, s11, $0xb8;
	[tilespmem:$0x1A400] =	vst v63  }
0x88: {  	s13 =	simm.s32 $0x2800;
	s31 =	simm.s32 $0x12400;
	s20 =	simm.s32 $0x11400  }
0x89: {  	[tilespmem:s24], [sflag:$0x4] =	stream.indirect.gather [hbm4b:s3+s11], $0x20, s23, s11, $0xb8;
	[tilespmem:$0x1A400] =	vst v63  }
0x8a: {  	s28 =	simm.s32 $0x9400;
	s22 =	simm.s32 $0xE400;
	s30 =	simm.s32 $0x16400  }
0x8b: {  	[tilespmem:s12], [sflag:$0x4] =	stream.indirect.gather [hbm4b:s3+s11], $0x20, s25, s11, $0xb8;
	[tilespmem:$0x1A400] =	vst v63  }
0x8c: {  	s24 =	simm.s32 $0x13400;
	s23 =	simm.s32 $0x17400;
	_ =	swait.ge [sflag:s4], $0x5000  }
0x8d: {  	s12 =	simm.s32 $0x18400;
	s26 =	rddreg [dreg:$0x5];
	[sflag:s4] =	ssyncset.done $0x0  }
0x8e: {  	[sflag:s4] =	ssyncadd.s32 $0xFFFFB000;
	s15 =	sadd.s32 $0x0, s26;
	s26 =	simm.s32 $0xF400  }
.LBB2_2:
0x8f: {  	[hbm4b:s15+s2] =	stream.linear.scatter [tilespmem:s21], [sflag:$0x6], $0x5000, $0x38;
	[tilespmem:$0x1A400] =	vst v63  }
0x90: {  	s15 =	smov.u32 s13;
	_ =	swait.ge [sflag:s6], $0x5000  }
0x91: {  	s17 =	sshra.s32 s15, $0x2;
	[sflag:s6] =	ssyncset.done $0x0  }
0x92: {  	s19 =	sadd.s32 $0xA00, s17;
	[sflag:s6] =	ssyncadd.s32 $0xFFFFB000  }
0x93: {  	[tilespmem:s14], [sflag:$0x1] =	stream.indirect.gather [hbm4b:s3+s11], $0x20, s19, s11, $0xb8;
	[tilespmem:$0x1A400] =	vst v63  }
0x94: {  	s25 =	simm.s32 $0x7400;
	s19 =	sadd.s32 $0xA80, s17  }
0x95: {  	[tilespmem:s25], [sflag:$0x1] =	stream.indirect.gather [hbm4b:s3+s11], $0x20, s19, s11, $0xb8;
	[tilespmem:$0x1A400] =	vst v63  }
0x96: {  	s19 =	sadd.s32 $0xB00, s17;
	s25 =	simm.s32 $0x8400  }
0x97: {  	[tilespmem:s25], [sflag:$0x1] =	stream.indirect.gather [hbm4b:s3+s11], $0x20, s19, s11, $0xb8;
	[tilespmem:$0x1A400] =	vst v63  }
0x98: {  	s25 =	sadd.s32 $0xB80, s17  }
0x99: {  	[tilespmem:s28], [sflag:$0x1] =	stream.indirect.gather [hbm4b:s3+s11], $0x20, s25, s11, $0xb8;
	[tilespmem:$0x1A400] =	vst v63  }
0x9a: {  	s19 =	sadd.s32 $0xC00, s17;
	s25 =	simm.s32 $0xA400  }
0x9b: {  	[tilespmem:s25], [sflag:$0x1] =	stream.indirect.gather [hbm4b:s3+s11], $0x20, s19, s11, $0xb8;
	[tilespmem:$0x1A400] =	vst v63  }
0x9c: {  	_ =	swait.ge [sflag:s7], $0x5000  }
0x9d: {  	s25 =	rddreg [dreg:$0x4];
	[sflag:s7] =	ssyncset.done $0x0  }
0x9e: {  	[sflag:s7] =	ssyncadd.s32 $0xFFFFB000;
	s19 =	sadd.s32 s15, s25  }
0x9f: {  	[hbm4b:s19+s2] =	stream.linear.scatter [tilespmem:s1], [sflag:$0x7], $0x5000, $0x38;
	[tilespmem:$0x1A400] =	vst v63  }
0xa0: {  	_ =	swait.ge [sflag:s8], $0x5000  }
0xa1: {  	[sflag:s8] =	ssyncset.done $0x0  }
0xa2: {  	s25 =	sadd.s32 $0xC80, s17;
	[sflag:s8] =	ssyncadd.s32 $0xFFFFB000  }
0xa3: {  	[tilespmem:s21], [sflag:$0x2] =	stream.indirect.gather [hbm4b:s3+s11], $0x20, s25, s11, $0xb8;
	[tilespmem:$0x1A400] =	vst v63  }
0xa4: {  	s19 =	sadd.s32 $0xD00, s17;
	s25 =	simm.s32 $0xC400  }
0xa5: {  	[tilespmem:s25], [sflag:$0x2] =	stream.indirect.gather [hbm4b:s3+s11], $0x20, s19, s11, $0xb8;
	[tilespmem:$0x1A400] =	vst v63  }
0xa6: {  	s25 =	sadd.s32 $0xD80, s17  }
0xa7: {  	[tilespmem:s18], [sflag:$0x2] =	stream.indirect.gather [hbm4b:s3+s11], $0x20, s25, s11, $0xb8;
	[tilespmem:$0x1A400] =	vst v63  }
0xa8: {  	s25 =	sadd.s32 $0xE00, s17  }
0xa9: {  	[tilespmem:s22], [sflag:$0x2] =	stream.indirect.gather [hbm4b:s3+s11], $0x20, s25, s11, $0xb8;
	[tilespmem:$0x1A400] =	vst v63  }
0xaa: {  	s25 =	sadd.s32 $0xE80, s17  }
0xab: {  	[tilespmem:s26], [sflag:$0x2] =	stream.indirect.gather [hbm4b:s3+s11], $0x20, s25, s11, $0xb8;
	[tilespmem:$0x1A400] =	vst v63  }
0xac: {  	_ =	swait.ge [sflag:s5], $0x5000  }
0xad: {  	s25 =	rddreg [dreg:$0x3];
	[sflag:s5] =	ssyncset.done $0x0  }
0xae: {  	[sflag:s5] =	ssyncadd.s32 $0xFFFFB000;
	s19 =	sadd.s32 s15, s25  }
0xaf: {  	[hbm4b:s19+s2] =	stream.linear.scatter [tilespmem:s0], [sflag:$0x8], $0x5000, $0x38;
	[tilespmem:$0x1A400] =	vst v63  }
0xb0: {  	_ =	swait.ge [sflag:s9], $0x5000  }
0xb1: {  	[sflag:s9] =	ssyncset.done $0x0  }
0xb2: {  	s25 =	sadd.s32 $0xF00, s17;
	[sflag:s9] =	ssyncadd.s32 $0xFFFFB000  }
0xb3: {  	[tilespmem:s1], [sflag:$0x3] =	stream.indirect.gather [hbm4b:s3+s11], $0x20, s25, s11, $0xb8;
	[tilespmem:$0x1A400] =	vst v63  }
0xb4: {  	s25 =	sadd.s32 $0xF80, s17  }
0xb5: {  	[tilespmem:s20], [sflag:$0x3] =	stream.indirect.gather [hbm4b:s3+s11], $0x20, s25, s11, $0xb8;
	[tilespmem:$0x1A400] =	vst v63  }
0xb6: {  	s25 =	sadd.s32 $0x1000, s17  }
0xb7: {  	[tilespmem:s31], [sflag:$0x3] =	stream.indirect.gather [hbm4b:s3+s11], $0x20, s25, s11, $0xb8;
	[tilespmem:$0x1A400] =	vst v63  }
0xb8: {  	s25 =	sadd.s32 $0x1080, s17  }
0xb9: {  	[tilespmem:s24], [sflag:$0x3] =	stream.indirect.gather [hbm4b:s3+s11], $0x20, s25, s11, $0xb8;
	[tilespmem:$0x1A400] =	vst v63  }
0xba: {  	s25 =	sadd.s32 $0x1100, s17  }
0xbb: {  	[tilespmem:s16], [sflag:$0x3] =	stream.indirect.gather [hbm4b:s3+s11], $0x20, s25, s11, $0xb8;
	[tilespmem:$0x1A400] =	vst v63  }
0xbc: {  	_ =	swait.ge [sflag:s29], $0x5000  }
0xbd: {  	s25 =	rddreg [dreg:$0x6];
	[sflag:s29] =	ssyncset.done $0x0  }
0xbe: {  	[sflag:s29] =	ssyncadd.s32 $0xFFFFB000;
	s19 =	sadd.s32 s15, s25  }
0xbf: {  	[hbm4b:s19+s2] =	stream.linear.scatter [tilespmem:s14], [sflag:$0x5], $0x5000, $0x38;
	[tilespmem:$0x1A400] =	vst v63  }
0xc0: {  	_ =	swait.ge [sflag:s10], $0x5000  }
0xc1: {  	[sflag:s10] =	ssyncset.done $0x0  }
0xc2: {  	s25 =	sadd.s32 $0x1180, s17;
	[sflag:s10] =	ssyncadd.s32 $0xFFFFB000  }
0xc3: {  	[tilespmem:s0], [sflag:$0x4] =	stream.indirect.gather [hbm4b:s3+s11], $0x20, s25, s11, $0xb8;
	[tilespmem:$0x1A400] =	vst v63  }
0xc4: {  	s25 =	sadd.s32 $0x1200, s17  }
0xc5: {  	[tilespmem:s30], [sflag:$0x4] =	stream.indirect.gather [hbm4b:s3+s11], $0x20, s25, s11, $0xb8;
	[tilespmem:$0x1A400] =	vst v63  }
0xc6: {  	s25 =	sadd.s32 $0x1280, s17  }
0xc7: {  	[tilespmem:s23], [sflag:$0x4] =	stream.indirect.gather [hbm4b:s3+s11], $0x20, s25, s11, $0xb8;
	[tilespmem:$0x1A400] =	vst v63  }
0xc8: {  	p0 =	sne.s32 s13, $0x14000;
	s25 =	sadd.s32 $0x1300, s17  }
0xc9: {  	[tilespmem:s12], [sflag:$0x4] =	stream.indirect.gather [hbm4b:s3+s11], $0x20, s25, s11, $0xb8;
	[tilespmem:$0x1A400] =	vst v63  }
.Ltmp0:
0xca: {  	s17 =	sadd.s32 $0x1380, s17;
	s25 =	simm.s32 $0x19400;
	(pc) =	sbr.rel @p0 .LBB2_2-.Ltmp0, $4  }
0xcb: {  	[tilespmem:s25], [sflag:$0x4] =	stream.indirect.gather [hbm4b:s3+s11], $0x20, s17, s11, $0xb8;
	[tilespmem:$0x1A400] =	vst v63  }
0xcc: {  	_ =	swait.ge [sflag:s4], $0x5000  }
0xcd: {  	[sflag:s4] =	ssyncset.done $0x0;
	s25 =	rddreg [dreg:$0x5]  }
0xce: {  	s13 =	sadd.s32 $0x2800, s13;
	[sflag:s4] =	ssyncadd.s32 $0xFFFFB000;
	s15 =	sadd.s32 s15, s25  }
0xcf: {  	[hbm4b:s15+s2] =	stream.linear.scatter [tilespmem:s21], [sflag:$0x6], $0x5000, $0x38;
	[tilespmem:$0x1A400] =	vst v63  }
0xd0: {  	_ =	swait.ge [sflag:s7], $0x5000  }
0xd1: {  	[sflag:s7] =	ssyncset.done $0x0  }
0xd2: {  	s13 =	rddreg [dreg:$0xa];
	[sflag:s7] =	ssyncadd.s32 $0xFFFFB000  }
0xd3: {  	[hbm4b:s13+s2] =	stream.linear.scatter [tilespmem:s1], [sflag:$0x7], $0x5000, $0x38;
	[tilespmem:$0x1A400] =	vst v63  }
0xd4: {  	_ =	swait.ge [sflag:s5], $0x5000  }
0xd5: {  	[sflag:s5] =	ssyncset.done $0x0  }
0xd6: {  	s25 =	rddreg [dreg:$0xb];
	[sflag:s5] =	ssyncadd.s32 $0xFFFFB000  }
0xd7: {  	[hbm4b:s25+s2] =	stream.linear.scatter [tilespmem:s0], [sflag:$0x8], $0x5000, $0x38;
	[tilespmem:$0x1A400] =	vst v63  }
0xd8: {  	_ =	swait.ge [sflag:s6], $0x5000  }
0xd9: {  	[sflag:s6] =	ssyncset.done $0x0  }
0xda: {  	[sflag:s6] =	ssyncadd.s32 $0xFFFFB000  }
0xdb: {  	_ =	swait.ge [sflag:s8], $0x5000  }
0xdc: {  	[sflag:s8] =	ssyncset.done $0x0  }
0xdd: {  	[sflag:s8] =	ssyncadd.s32 $0xFFFFB000  }
0xde: {  	_ =	swait.ge [sflag:s9], $0x5000  }
0xdf: {  	[sflag:s9] =	ssyncset.done $0x0  }
0xe0: {  	[sflag:s9] =	ssyncadd.s32 $0xFFFFB000  }
0xe1: {  	_ =	swait.ge [sflag:s10], $0x5000  }
0xe2: {  	s15 =	simm.s32 $0x7400;
	s17 =	simm.s32 $0x8400;
	s12 =	rddreg [dreg:$0xd]  }
0xe3: {  	s19 =	simm.s32 $0x9400;
	s26 =	rddreg [dreg:$0xc];
	s12 =	sadd.s32 $0x1, s12  }
0xe4: {  	s23 =	simm.s32 $0xA400;
	s14 =	simm.s32 $0xC400;
	p0 =	sne.s32 s12, s26  }
.Ltmp1:
0xe5: {  	s18 =	simm.s32 $0xD400;
	s22 =	simm.s32 $0xE400;
	(pc) =	sbr.rel @p0 .LBB2_1-.Ltmp1, $4  }
0xe6: {  	s20 =	simm.s32 $0x11400;
	s24 =	simm.s32 $0x13400;
	s16 =	simm.s32 $0x14400  }
0xe7: {  	s28 =	simm.s32 $0x16400;
	s30 =	simm.s32 $0x17400;
	[sflag:s10] =	ssyncset.done $0x0  }
0xe8: {  	s31 =	simm.s32 $0x6400;
	s25 =	simm.s32 $0xF400;
	[sflag:s10] =	ssyncadd.s32 $0xFFFFB000  }
0xe9: {  	[dreg:$0xd] =	wrdreg s12;
	s26 =	simm.s32 $0x12400;
	s12 =	simm.s32 $0x18400  }
0xea: {  	_ =	sfence.sel $0x180000  }
0xeb: {  	[bflag:$0x0] =	sbarrier.arrive $0xFFFF  }
0xec: {  	_ =	strace $0x90000047  }
0xed: {  	s0 =	stileid.u32;
	[bflag:$0x2] =	sbarrier.arrive $0xFFFF  }
0xee: {  	p0 =	sne.s32 s0, $0x0;
	s0 =	rddreg [dreg:$0x2]  }
0xef: {  	s0 =	sadd.s32 @!p0 $0x100000, s0  }
0xf0: {  	[sflag:s0] =	ssyncadd.tile.s32 @!p0 $0x1;
	_ =	shalt  }
.Lfunc_end2:
_tile_overlayer_lowered:
.L_overlay_start_2:
0xf1: {  	(tag) =	ssettag $0x2  }
0xf2: {  	s0 =	rddreg [dreg:$0x0];
	s2 =	stileid.u32  }
0xf3: {  	s1 =	rddreg [dreg:$0x1];
	p0 =	sne.s32 s2, $0x0  }
0xf4: {  	s3 =	rddreg [dreg:$0x2];
	[bflag:$0x3] =	sbarrier.arrive $0xFFFF;
	s2 =	simm.s32 @!p0 $0x1C09  }
0xf5: {  	[timem:s3], [sflag:s2] =	dma.local @!p0 [hbm:s0], s1  }
0xf6: {  	s0 =	simm.s32 @!p0 $0x9  }
0xf7: {  	_ =	swait.ge @!p0 [sflag:s0], s1  }
0xf8: {  	s1 =	ssub.s32 @!p0 $0x0, s1;
	[sflag:s0] =	ssyncset.done @!p0 $0x0  }
0xf9: {  	[sflag:s0] =	ssyncadd.s32 @!p0 s1  }
0xfa: {  	[bflag:$0x3] =	sbarrier.arrive $0xFFFF  }
0xfb: {  	_ =	shalt  }

// kernel: sparse-core-data-format-call.cloned.1.call-start
scs
called_computation_lowered:
.L_overlay_start_0:
0x0: {  	s2 =	sld [smem:$0x3FD9]  }
0x1: {  	s3 =	sld [smem:$0x3FFE];
	_ =	sdelay $0x1  }
0x2: {  	s1 =	srdreg.scid  }
0x3: {  	s0 =	sand.u32 $0x1, s1  }
0x4: {  	s18 =	sshll.u32 s0, $0xA;
	s2 =	sadd.s32 s3, s2  }
0x5: {  	s2 =	sadd.s32 s2, s18  }
0x6: {  	[smem:$0x3FC6] =	sst s2  }
0x7: {  	_ = 	snop  }
0x8: {  	s2 =	sld [smem:$0x3FD0];
	(tm) =	ssettm $0x1  }
0x9: {  	s19 =	sld [smem:$0x3FFB];
	_ =	sdelay $0x3  }
0xa: {  	_ =	strace s19  }
0xb: {  	s3 =	sld [smem:$0x3FFC];
	_ =	sdelay $0x3  }
0xc: {  	_ =	strace s3  }
0xd: {  	s3 =	sld [smem:$0x3FFD];
	_ =	sdelay $0x3  }
0xe: {  	_ =	strace s3  }
0xf: {  	_ =	strace $0x8FFFFFFF  }
0x10: {  	s20 =	sld [smem:$0x3FDB];
	_ =	sdelay $0x1  }
0x11: {  	s4 =	simm.s32 $_scs_section_size  }
0x12: {  	s5 =	simm.s32 $_size__tile_overlayer_lowered;
	s6 =	simm.s32 $_tile_overlayer_lowered  }
0x13: {  	s23 =	simm.s32 $0x1BFF;
	s22 =	sshll.u32 s6, $0x1;
	s3 =	sadd.s32 s4, s20  }
0x14: {  	s7 =	simm.s32 $0x0;
	s21 =	sshll.u32 s5, $0x1;
	s5 =	sadd.s32 s22, s3  }
0x15: {  	[timem:s7], [sflag:s23] =	dma.local [hbm:s5], s21  }
0x16: {  	_ =	swait.ge [sflag:s23], s21  }
0x17: {  	s4 =	ssub.s32 $0x0, s21;
	[sflag:s23] =	ssyncset.done $0x0  }
0x18: {  	[sflag:s23] =	ssyncadd.s32 s4;
	_ =	sdelay $0x1  }
0x19: {  	s24 =	simm.s32 $0x1B8B  }
0x1a: {  	_ =	swait.ge [sflag:s24], $0x1  }
0x1b: {  	[sflag:s24] =	ssyncset.done $0x0  }
0x1c: {  	s26 =	simm.s32 $0x1B8E;
	s25 =	sld [smem:$0x3FFE];
	[sflag:s24] =	ssyncadd.s32 $0xFFFFFFFF  }
0x1d: {  	s27 =	simm.s32 $execute0_lowered;
	[smem:$0x3FD2] =	sst s26  }
0x1e: {  	s5 =	sshll.u32 s27, $0x1;
	_ =	strace $0x80000049;
	[dreg:$0x1] =	wrdreg $0xFFFFFFFF  }
0x1f: {  	s28 =	simm.s32 $_size_execute0_lowered;
	s3 =	sadd.s32 s3, s5;
	[dreg:$0x0] =	wrdreg $0x0  }
0x20: {  	s5 =	sshll.u32 s28, $0x1;
	[dreg:$0x2] =	wrdreg s3  }
0x21: {  	[dreg:$0x3] =	wrdreg s5  }
0x22: {  	[dreg:$0x4] =	wrdreg $0xC0  }
0x23: {  	_ =	task [dreg:s7], $0x5FFFF  }
0x24: {  	[dreg:$0x1] =	wrdreg $0xFFFFFFFF  }
0x25: {  	[dreg:$0x0] =	wrdreg $0x60  }
0x26: {  	[dreg:$0x2] =	wrdreg s25  }
0x27: {  	[dreg:$0x3] =	wrdreg s2  }
0x28: {  	[dreg:$0x4] =	wrdreg $0x9  }
0x29: {  	_ =	task.clear_ibuf [dreg:s7], $0x5FFFF;
	_ =	strace $0x90000049  }
0x2a: {  	s29 =	simm.s32 $0x9;
	_ =	strace $0x8000004B  }
0x2b: {  	_ =	swait.ge [sflag:s29], $0x1  }
0x2c: {  	[sflag:s29] =	ssyncadd.s32 $0xFFFFFFFF  }
0x2d: {  	_ =	strace $0x9000004B  }
0x2e: {  	_ =	sfence  }
0x2f: {  	s30 =	sld [smem:$0x0];
	_ =	sdelay $0x2  }
0x30: {  	s31 =	sshll.u32 s1, $0xD;
	s1 =	sshrl.u32 s1, $0x2  }
0x31: {  	s3 =	sand.u32 $0x4000, s31;
	s1 =	sadd.s32 s1, s30  }
0x32: {  	s0 =	sor.u32 s3, s0;
	s1 =	sshll.u32 s1, $0x11  }
0x33: {  	s0 =	sor.u32 s1, s0  }
0x34: {  	s0 =	sadd.s32 $0x8F2B, s0  }
0x35: {  	[sflag:s0] =	ssyncadd.remote.s32 $0x1  }
0x36: {  	_ =	sfence.sel $0xFFFF  }
0x37: {  	[dreg:$0x0] =	wrdreg $0xFFFFFFFF;
	(pc) =	sbr.abs _section_cstart, $3  }
0x38: {  	[dreg:$0x1] =	wrdreg $0xFFFFFFFF  }
0x39: {  	_ =	task.clear_ibuf [dreg:s7], $0x2FFFF;
	_ =	strace $0x9FFFFFFF  }
0x3a: {  	(tm) =	ssettm $0x7FFFFFFF  }
0x3b: {  	_ =	shalt  }
tec
execute0_lowered:
.L_overlay_start_1:
0x0: {  	(tag) =	ssettag $0x1  }
0x1: {  	s0 =	srdreg.scid  }
0x2: {  	s1 =	sshll.u32 s0, $0x4  }
0x3: {  	s0 =	stileid.u32;
	s1 =	sand.u32 $0x10, s1  }
0x4: {  	s1 =	sor.u32 s0, s1  }
0x5: {  	s6 =	rddreg [dreg:$0x0];
	s4 =	simm.s32 $0x1;
	s2 =	sshll.u32 s1, $0x7  }
0x6: {  	s7 =	simm.s32 $0x2;
	s12 =	simm.s32 $0x0;
	s1 =	ssub.s32 $0x1000, s2  }
0x7: {  	s8 =	simm.s32 $0x8000;
	s13 =	simm.s32 $0x0;
	s3 =	sand.u32 $0xF80, s1  }
0x8: {  	s9 =	simm.s32 $0x0;
	s5 =	sshrl.u32 s1, $0xC;
	p0 =	sne.s32 s3, $0x0  }
.Ltmp0:
0x9: {  	s1 =	rddreg [dreg:$0x2];
	s4 =	simm.s32 @!p0 $0x0;
	(pc) =	sbr.rel .LBB1_1-.Ltmp0, $4  }
0xa: {  	s11 =	simm.s32 $0x0;
	s3 =	rddreg [dreg:$0x1];
	s5 =	sadd.s32 s4, s5  }
0xb: {  	_ =	strace $0x8000004A;
	s4 =	simm.s32 $0x1;
	s5 =	smul.u32 $0xC8, s5  }
0xc: {  	s6 =	sadd.s32 $0xA00, s6;
	s10 =	smov.u32 s2;
	[sflag:s4] =	ssyncpa.u1 $0x0  }
0xd: {  	p0 =	por $0x0, $0x0;
	[sflag:s7] =	ssyncpa.u1 $0x0;
	s7 =	sor.u32 $0x1, s5  }
.LBB1_4:
0xe: {  	s16 =	sshll.u32 s13, $0x3;
	s17 =	sand.u32 $0x78, s13  }
0xf: {  	s30 =	sand.u32 $0x3E00, s13;
	s12 =	sshll.u32 s12, $0xE;
	s16 =	sand.u32 $0xC00, s16  }
0x10: {  	s31 =	sand.u32 $0x7, s13;
	s16 =	sor.u32 s17, s16;
	s17 =	sadd.s32 s3, s30  }
0x11: {  	s13 =	sshll.u32 s31, $0x12;
	s16 =	sshrl.u32 s16, $0x3;
	s12 =	sadd.s32 s12, s17  }
0x12: {  	[tilespmem:s15+$0x0 ss:$0x81] =	vst.msk $0xffff, v0;
	s13 =	sor.u32 $0x400, s13;
	s12 =	sadd.s32 s16, s12  }
0x13: {  	[hbm4b:s12+s13] =	stream.strided.scatter [tilespmem:s14], [sflag:$0x2], $0x1000, s8, s13, $0x20;
	[tilespmem:$0x4040] =	vst v63  }
.LBB1_5:
0x14: {  	s14 =	sadd.s32 $0x1, s9  }
0x15: {  	s12 =	sadd.s32 $0x1000, s10;
	s16 =	smov.u32 s10;
	p2 =	sgt.s32 s14, $0xC7  }
0x16: {  	s16 =	smov.u32 @p2 s12  }
0x17: {  	s14 =	simm.s32 @p2 $0x0;
	p2 =	sgt.s32 s16, $0xFFF  }
0x18: {  	s16 =	smov.u32 @p2 s2;
	p2 =	sne.s32 s11, s7  }
.Ltmp1:
0x19: {  	p1 =	slt.u32 s11, $0x2;
	(pc) =	sbr.rel @!p2 .LBB1_6-.Ltmp1, $4  }
0x1a: {  	s15 =	simm.s32 @!p1 $0x2  }
0x1b: {  	s13 =	smov.u32 s10;
	p0 =	por !p0, !p0;
	_ =	swait.ge @!p1 [sflag:s15], $0x1000  }
0x1c: {  	s12 =	smov.u32 s9;
	[sflag:s15] =	ssyncset.done @!p1 $0x0;
	s9 =	smov.u32 s14  }
0x1d: {  	s11 =	sadd.s32 $0x1, s11;
	[sflag:s15] =	ssyncadd.s32 @!p1 $0xFFFFF000;
	s10 =	smov.u32 s16  }
.LBB1_1:
0x1e: {  	p1 =	sge.u32 s11, s5  }
0x1f: {  	s14 =	sand.u32 @!p1 $0x1FFFFFF, s9  }
0x20: {  	s15 =	smulhi.u32 @!p1 $0x147AE15, s14;
	_ =	sdelay $0x1  }
0x21: {  	s15 =	smul.u32 @!p1 $0xC8, s15  }
0x22: {  	s16 =	sxor.u32 @!p1 $0xFFFFFFFF, s11;
	s17 =	smul.u32 @!p1 $0xC80, s10  }
0x23: {  	s31 =	sadd.s32 $0xFFFFFFFF, s11;
	s16 =	sshll.u32 @!p1 s16, $0xC;
	s14 =	ssub.s32 @!p1 s14, s15  }
0x24: {  	s15 =	sand.u32 @!p1 $0x1000, s16;
	s16 =	sadd.s32 @!p1 s6, s17;
	s14 =	sshll.u32 @!p1 s14, $0x4  }
0x25: {  	s17 =	simm.s32 @!p1 $0x6400;
	s14 =	sadd.s32 @!p1 s14, s16;
	s16 =	simm.s32 @!p1 $0x20  }
0x26: {  	[tilespmem:s15], [sflag:$0x1] =	stream.strided.gather @!p1 [hbm4b:s14+s16], $0x1000, s17, s16, $0x38;
	[tilespmem:$0x4040] =	vst v63  }
0x27: {  	p1 =	sge.u32 s31, s5  }
.Ltmp2:
0x28: {  	_ = 	snop;
	(pc) =	sbr.rel @p1 .LBB1_5-.Ltmp2, $1  }
0x29: {  	_ =	sdelay $0x3  }
0x2a: {  	s14 =	simm.s32 $0x1  }
0x2b: {  	_ =	swait.ge [sflag:s4], $0x1000;
	s14 =	simm.s32 @!p0 $0x0  }
0x2c: {  	[sflag:s4] =	ssyncset.done $0x0;
	s15 =	sshll.u32 s14, $0xC  }
0x2d: {  	[sflag:s4] =	ssyncadd.s32 $0xFFFFF000;
	s18 =	sor.u32 $0x10, s15  }
0x2e: {  	s14 =	smul.u32 $0x4080, s14;
	v1 =	vld [tilespmem:s18+$0x0]  }
0x2f: {  	s30 =	sand.u32 $0x1, s11;
	v0 =	vld [tilespmem:s18+$0xFFFFFFF0]  }
0x30: {  	s15 =	smul.u32 $0x4080, s30;
	s14 =	sshrl.u32 s14, $0x2  }
0x31: {  	s16 =	sor.u32 $0x2000, s14  }
0x32: {  	s31 =	sshrl.u32 s15, $0x2;
	s15 =	sadd.s32 $0x0, s16  }
0x33: {  	s17 =	simm.s32 $0x4;
	s18 =	sadd.s32 $0x20, s18;
	s14 =	sor.u32 $0x2000, s31;
	[tilespmem:s15+$0x810 ss:$0x81] =	vst.msk $0xffff, v1  }
.LBB1_3:
0x34: {  	v1 =	vld [tilespmem:s18+$0x0];
	p1 =	sne.s32 s17, $0x1FC;
	[tilespmem:s15+$0x0 ss:$0x81] =	vst.msk $0xffff, v0;
	s15 =	smov.u32 s17;
	s17 =	sadd.s32 $0x4, s17  }
.Ltmp3:
0x35: {  	v0 =	vld [tilespmem:s18+$0xFFFFFFF0];
	(pc) =	sbr.rel @p1 .LBB1_3-.Ltmp3, $4  }
0x36: {  	_ = 	snop  }
0x37: {  	s15 =	sshra.s32 s15, $0x2  }
0x38: {  	s15 =	sadd.s32 s15, s16  }
0x39: {  	s18 =	sadd.s32 $0x20, s18;
	[tilespmem:s15+$0x810 ss:$0x81] =	vst.msk $0xffff, v1  }
.Ltmp4:
0x3a: {  	_ = 	snop;
	(pc) =	sbr.rel .LBB1_4-.Ltmp4, $1  }
0x3b: {  	_ =	sdelay $0x3  }
.LBB1_6:
0x3c: {  	_ =	sfence.sel $0x180000  }
0x3d: {  	s2 =	simm.s32 $0x1;
	[bflag:$0x0] =	sbarrier.arrive $0xFFFF  }
0x3e: {  	s31 =	simm.s32 $0x2;
	[sflag:s2] =	ssyncpa.u1 $0x1  }
0x3f: {  	[sflag:s31] =	ssyncpa.u1 $0x1  }
0x40: {  	p0 =	sne.s32 s0, $0x0;
	_ =	strace $0x9000004A  }
0x41: {  	s0 =	sadd.s32 @!p0 $0x100000, s1;
	[bflag:$0x2] =	sbarrier.arrive $0xFFFF  }
0x42: {  	[sflag:s0] =	ssyncadd.tile.s32 @!p0 $0x1;
	_ =	shalt  }
.Lfunc_end1:
_tile_overlayer_lowered:
.L_overlay_start_2:
0x43: {  	(tag) =	ssettag $0x2  }
0x44: {  	s0 =	rddreg [dreg:$0x0];
	s2 =	stileid.u32  }
0x45: {  	s1 =	rddreg [dreg:$0x1];
	p0 =	sne.s32 s2, $0x0  }
0x46: {  	s3 =	rddreg [dreg:$0x2];
	[bflag:$0x3] =	sbarrier.arrive $0xFFFF;
	s2 =	simm.s32 @!p0 $0x1C01  }
0x47: {  	[timem:s3], [sflag:s2] =	dma.local @!p0 [hbm:s0], s1  }
0x48: {  	s0 =	simm.s32 @!p0 $0x1  }
0x49: {  	_ =	swait.ge @!p0 [sflag:s0], s1  }
0x4a: {  	s1 =	ssub.s32 @!p0 $0x0, s1;
	[sflag:s0] =	ssyncset.done @!p0 $0x0  }
0x4b: {  	[sflag:s0] =	ssyncadd.s32 @!p0 s1  }
0x4c: {  	[bflag:$0x3] =	sbarrier.arrive $0xFFFF  }
0x4d: {  	_ =	shalt  }

</sc_bundles>
